<compile_context>
chip_gen: v7x
topology: tpu7x:2x2x1
jax: 0.10.2.dev20260603
libtpu: 0.0.44.dev20260713+nightly
codegen_flags: <defaults>
</compile_context>

<pallas_src>
import jax
import jax.numpy as jnp
import numpy as np
from jax import lax
from jax.experimental import pallas as pl
from jax.experimental.pallas import tpu as pltpu
from jax.experimental.pallas import tpu_sc as plsc

B = 32
V = 1_000_000
NCAND = 64
TEMP = np.float32(0.7)
INV_TEMP = np.float32(1.0 / 0.7)
TOP_P = np.float32(0.9)
TOP_K = 50
NEG_INF = np.float32(-np.inf)
EXP_SHIFT = np.float32(7.0)
TINY = np.float32(np.finfo(np.float32).tiny)
BIGI = np.int32(2**31 - 1)

CHUNK = 8000
NCHUNK = 125
GROUP = 320
JV = 20
GPC = 25
NGROUP = 3125
L2PAD = 3328
NL3 = 196
L3PAD = 208


def _group_max(buf, off):
    m = buf[pl.ds(off, 16)]
    for j in range(1, JV):
        m = jnp.maximum(m, buf[pl.ds(off + 16 * j, 16)])
    return m


def _set1(ref, idx, val, iota):
    off = pl.multiple_of((idx // 16) * 16, 16)
    lane = idx % 16
    v = ref[pl.ds(off, 16)]
    ref[pl.ds(off, 16)] = jnp.where(iota == lane, val, v)


def _get1_i32(ref, idx, iota):
    off = pl.multiple_of((idx // 16) * 16, 16)
    lane = idx % 16
    v = ref[pl.ds(off, 16)]
    return jnp.min(jnp.where(iota == lane, v, BIGI))


def _sc_body(logits_hbm, outv_hbm, outi_hbm,
             buf_a, buf_b, l1, l2, l3, gbuf, candv, candi,
             sem_a, sem_b):
    row = lax.axis_index("s") * 2 + lax.axis_index("c")
    iota = lax.iota(jnp.int32, 16)

    rbase = row * V

    def start(c, buf, sem):
        return pltpu.async_copy(
            logits_hbm.at[pl.ds(rbase + c * CHUNK, CHUNK)], buf, sem)

    def wait(buf, sem):
        pltpu.make_async_copy(
            logits_hbm.at[pl.ds(0, CHUNK)], buf, sem).wait()

    ninf = jnp.full((16,), NEG_INF, jnp.float32)

    def init_l2(k, _):
        l2[pl.ds(pl.multiple_of(k * 16, 16), 16)] = ninf
        return 0
    lax.fori_loop(0, L2PAD // 16, init_l2, 0)
    for k in range(L3PAD // 16):
        l3[pl.ds(k * 16, 16)] = ninf

    def process_chunk(c, buf):
        def group_body(g, _):
            off = pl.multiple_of(g * GROUP, 16)
            m = _group_max(buf, off)
            gg = c * GPC + g
            l1[pl.ds(pl.multiple_of(gg * 16, 16), 16)] = m
            _set1(l2, gg, jnp.max(m), iota)
            return 0
        lax.fori_loop(0, GPC, group_body, 0)

    start(0, buf_a, sem_a)

    def chunk_pair(i, _):
        wait(buf_a, sem_a)
        start(2 * i + 1, buf_b, sem_b)
        process_chunk(2 * i, buf_a)
        wait(buf_b, sem_b)
        start(2 * i + 2, buf_a, sem_a)
        process_chunk(2 * i + 1, buf_b)
        return 0
    lax.fori_loop(0, (NCHUNK - 1) // 2, chunk_pair, 0)
    wait(buf_a, sem_a)
    process_chunk(NCHUNK - 1, buf_a)

    def l3_body(q, _):
        v = l2[pl.ds(pl.multiple_of(q * 16, 16), 16)]
        _set1(l3, q, jnp.max(v), iota)
        return 0
    lax.fori_loop(0, NL3, l3_body, 0)

    def extract(t, _):
        mv = l3[pl.ds(0, 16)]
        for k in range(1, L3PAD // 16):
            mv = jnp.maximum(mv, l3[pl.ds(k * 16, 16)])
        m3 = jnp.max(mv)
        i3 = jnp.full((16,), BIGI, jnp.int32)
        for k in range(L3PAD // 16):
            vk = l3[pl.ds(k * 16, 16)]
            i3 = jnp.minimum(i3, jnp.where(vk == m3, iota + 16 * k, BIGI))
        t3 = jnp.min(i3)
        v2 = l2[pl.ds(pl.multiple_of(t3 * 16, 16), 16)]
        m2 = jnp.max(v2)
        g = t3 * 16 + jnp.min(jnp.where(v2 == m2, iota, BIGI))
        v1 = l1[pl.ds(pl.multiple_of(g * 16, 16), 16)]
        m1 = jnp.max(v1)
        lane = jnp.min(jnp.where(v1 == m1, iota, BIGI))
        pltpu.sync_copy(logits_hbm.at[pl.ds(rbase + g * GROUP, GROUP)], gbuf)

        def remask(p, _):
            cp = _get1_i32(candi, p, iota)
            gp = cp // GROUP

            @pl.when(gp == g)
            def _():
                _set1(gbuf, cp - g * GROUP, NEG_INF, iota)
            return 0
        lax.fori_loop(0, t, remask, 0)
        sel = jnp.full((16,), BIGI, jnp.int32)
        for j in range(JV):
            vj = gbuf[pl.ds(j * 16, 16)]
            sel = jnp.minimum(sel, jnp.where(vj == m1, np.int32(j), BIGI))
        jwin = jnp.min(jnp.where(iota == lane, sel, BIGI))
        col = g * GROUP + lane + 16 * jwin
        _set1(candv, t, m1, iota)
        _set1(candi, t, col, iota)
        _set1(gbuf, lane + 16 * jwin, NEG_INF, iota)
        m = _group_max(gbuf, 0)
        l1[pl.ds(pl.multiple_of(g * 16, 16), 16)] = m
        _set1(l2, g, jnp.max(m), iota)
        v2n = l2[pl.ds(pl.multiple_of(t3 * 16, 16), 16)]
        _set1(l3, t3, jnp.max(v2n), iota)
        return 0
    lax.fori_loop(0, NCAND, extract, 0)

    pltpu.sync_copy(candv, outv_hbm.at[row])
    pltpu.sync_copy(candi, outi_hbm.at[row])


@jax.jit
def _sc_topk(logits):
    mesh = plsc.VectorSubcoreMesh(
        core_axis_name="c", subcore_axis_name="s",
        num_cores=2, num_subcores=16)
    fn = pl.kernel(
        _sc_body,
        out_type=(jax.ShapeDtypeStruct((B, NCAND), jnp.float32),
                  jax.ShapeDtypeStruct((B, NCAND), jnp.int32)),
        mesh=mesh,
        compiler_params=pltpu.CompilerParams(
            use_tc_tiling_on_sc=False, needs_layout_passes=False),
        scratch_types=[
            pltpu.VMEM((CHUNK,), jnp.float32),
            pltpu.VMEM((CHUNK,), jnp.float32),
            pltpu.VMEM((NGROUP * 16,), jnp.float32),
            pltpu.VMEM((L2PAD,), jnp.float32),
            pltpu.VMEM((L3PAD,), jnp.float32),
            pltpu.VMEM((GROUP,), jnp.float32),
            pltpu.VMEM((NCAND,), jnp.float32),
            pltpu.VMEM((NCAND,), jnp.int32),
            pltpu.SemaphoreType.DMA,
            pltpu.SemaphoreType.DMA,
        ],
    )
    return fn(logits)



WBLK = 65536
NBLK = 16


def _rotl(x, r):
    return lax.shift_left(x, np.int32(r)) | lax.shift_right_logical(
        x, np.int32(32 - r))


def _threefry_bits(x1):
    ks0 = np.int32(0)
    ks1 = np.int32(42)
    ks2 = np.int32(0 ^ 42 ^ 0x1BD11BDA)
    ks = [ks0, ks1, ks2]
    rotations = [[13, 15, 26, 6], [17, 29, 16, 24]]
    x0 = jnp.zeros_like(x1) + ks0
    x1 = x1 + ks1
    for i in range(5):
        for r in rotations[i % 2]:
            x0 = x0 + x1
            x1 = _rotl(x1, r)
            x1 = x1 ^ x0
        x0 = x0 + ks[(i + 1) % 3]
        x1 = x1 + ks[(i + 2) % 3] + np.int32(i + 1)
    return x0 ^ x1


def _tc_body(logits_ref, candv_ref, candi_ref, tok_ref, acc_ref):
    pid = pl.program_id(0)

    @pl.when(pid == 0)
    def _():
        acc_ref[...] = jnp.zeros_like(acc_ref)

    x = logits_ref[...]
    col = pid * WBLK + lax.broadcasted_iota(jnp.int32, x.shape, 1)
    e = jnp.where(col < V, jnp.exp((x - EXP_SHIFT) * INV_TEMP), 0.0)
    acc_ref[...] += jnp.broadcast_to(
        jnp.sum(e, axis=1, keepdims=True), acc_ref.shape)

    @pl.when(pid == NBLK - 1)
    def _():
        s = acc_ref[:, 0:1]
        v = candv_ref[...]
        ci = candi_ref[...]
        d = v / TEMP
        ec = jnp.exp((v - EXP_SHIFT) * INV_TEMP)
        jj = lax.broadcasted_iota(jnp.int32, (NCAND, NCAND), 0)
        rr = lax.broadcasted_iota(jnp.int32, (NCAND, NCAND), 1)
        tri = (jj < rr).astype(jnp.float32)
        prefix = jnp.dot(ec, tri, preferred_element_type=jnp.float32)
        keep_p = prefix < TOP_P * s
        rcnt = jnp.sum(keep_p.astype(jnp.int32), axis=1, keepdims=True)
        kth = jnp.where(rcnt >= TOP_K, d[:, TOP_K - 1:TOP_K], NEG_INF)
        keep = keep_p & (d >= kth)
        flat = lax.broadcasted_iota(jnp.int32, ci.shape, 0) * V + ci
        bits = _threefry_bits(flat)
        fb = lax.shift_right_logical(bits, np.int32(9)) | np.int32(0x3F800000)
        floats = lax.bitcast_convert_type(fb, jnp.float32) - np.float32(1.0)
        u = jnp.maximum(TINY, floats + TINY)
        gum = -jnp.log(-jnp.log(u))
        score = jnp.where(keep, d + gum, NEG_INF)
        mx = jnp.max(score, axis=1, keepdims=True)
        tok = jnp.min(jnp.where(score == mx, ci, BIGI), axis=1)
        tok_ref[...] = jnp.broadcast_to(tok[:, None], tok_ref.shape)


@jax.jit
def _tc_sample(logits, candv, candi):
    return pl.pallas_call(
        _tc_body,
        grid=(NBLK,),
        in_specs=[
            pl.BlockSpec((B, WBLK), lambda i: (0, i)),
            pl.BlockSpec((B, NCAND), lambda i: (0, 0)),
            pl.BlockSpec((B, NCAND), lambda i: (0, 0)),
        ],
        out_specs=pl.BlockSpec((B, 128), lambda i: (0, 0)),
        out_shape=jax.ShapeDtypeStruct((B, 128), jnp.int32),
        scratch_shapes=[pltpu.VMEM((B, 128), jnp.float32)],
    )(logits, candv, candi)


def kernel(input_ids, logits, input_metadata):
    candv, candi = _sc_topk(jnp.reshape(logits, (B * V,)))
    tok = _tc_sample(logits, candv, candi)
    return tok[:, 0]

# --- scband reference (transcript-rebuilt; emitter-appended) ---
"""Pipeline reference for scband-sampler-66486093742538 (READ-ONLY COPY).

The authoritative reference and input builder live on the scoring server;
editing this copy changes nothing except your own understanding.
"""

import jax, jax.numpy as jnp
import numpy as np

TEMPERATURE = 0.7
TOP_P = 0.9
TOP_K = 50
NEG_INF = float('-inf')


def _process_logits(logits):
    # TemperatureLogitsWarper: logits / temperature
    logits = logits / TEMPERATURE
    # TopPLogitsWarper (HF semantics: ascending sort, remove where cumprob <= 1 - top_p,
    # always keep the last min_tokens_to_keep=1 sorted entries)
    sorted_indices = jnp.argsort(logits, axis=-1)
    sorted_logits = jnp.take_along_axis(logits, sorted_indices, axis=-1)
    cumulative_probs = jnp.cumsum(jax.nn.softmax(sorted_logits, axis=-1), axis=-1)
    sorted_remove = cumulative_probs <= (1.0 - TOP_P)
    sorted_remove = sorted_remove.at[..., -1:].set(False)
    batch_idx = jnp.arange(logits.shape[0])[:, None]
    remove = jnp.zeros(logits.shape, dtype=bool).at[batch_idx, sorted_indices].set(sorted_remove)
    logits = jnp.where(remove, NEG_INF, logits)
    # TopKLogitsWarper: mask everything strictly below the k-th largest logit
    kth = jax.lax.top_k(logits, TOP_K)[0][..., -1:]
    logits = jnp.where(logits < kth, NEG_INF, logits)
    return logits


def setup_inputs(seed: int = 0):
    key = jax.random.key(seed)
    k1, k2 = jax.random.split(key)
    input_ids = jax.random.randint(k1, (32, 2048), 0, 1000000, dtype=jnp.int32)
    logits = jax.random.normal(k2, (32, 1000000), dtype=jnp.float32)
    input_metadata = jnp.arange(33, dtype=jnp.int32)  # cu_seqlens placeholder (unused branch)
    return {"input_ids": input_ids, "logits": logits, "input_metadata": input_metadata}


def reference(input_ids, logits, input_metadata):
    # repetition_penalty == 1.0 -> tmp_output_ids is None; processors applied to full logits.
    last_token_logits = _process_logits(logits)
    # temperature >= 1e-5 and top_p >= 1e-8 -> multinomial sampling from softmax(probs)
    token = jax.random.categorical(jax.random.key(42), last_token_logits, axis=-1)
    return token

if __name__ == "__main__":
    import jax
    _d = setup_inputs()
    print(jax.jit(kernel)(*tuple(_d.values())))

</pallas_src>

<mosaic_0001>
#map = affine_map<(d0, d1) -> (0)>
#map1 = affine_map<(d0, d1) -> (0, 0)>
module attributes {stable_mosaic.version = 14 : i64} {
  func.func @_sc_body(%arg0: i32, %arg1: i32, %arg2: memref<32000000xf32, #tpu.memory_space<hbm>>, %arg3: memref<32x64xf32, #tpu.memory_space<hbm>>, %arg4: memref<32x64xi32, #tpu.memory_space<hbm>>, %arg5: memref<8000xf32, #tpu.memory_space<vmem>>, %arg6: memref<8000xf32, #tpu.memory_space<vmem>>, %arg7: memref<50000xf32, #tpu.memory_space<vmem>>, %arg8: memref<3328xf32, #tpu.memory_space<vmem>>, %arg9: memref<208xf32, #tpu.memory_space<vmem>>, %arg10: memref<320xf32, #tpu.memory_space<vmem>>, %arg11: memref<64xf32, #tpu.memory_space<vmem>>, %arg12: memref<64xi32, #tpu.memory_space<vmem>>, %arg13: memref<!tpu.dma_semaphore, #tpu.memory_space<semaphore_mem>>, %arg14: memref<!tpu.dma_semaphore, #tpu.memory_space<semaphore_mem>>) attributes {dimension_semantics = [#tpu.dimension_semantics<core_parallel>, #tpu.dimension_semantics<subcore_parallel>], iteration_bounds = array<i64: 2, 16>, scalar_prefetch = 0 : i64, scratch_operands = 10 : i64, tpu.core_type = #tpu.core_type<sc_vector_subcore>, window_params = [{transform_indices = #map}, {transform_indices = #map1}, {transform_indices = #map1}]} {
    %mul3A = arith.constant 2 : i32
    %mul3A_0 = arith.muli %arg1, %mul3A : i32
    %add3A = arith.addi %mul3A_0, %arg0 : i32
    %iota3A = tpu.iota {dimensions = array<i32: 0>} : vector<16xi32>
    %mul3A_1 = arith.constant 1000000 : i32
    %mul3A_2 = arith.muli %add3A, %mul3A_1 : i32
    %broadcast_in_dim3A = arith.constant 0xFF800000 : f32
    %broadcast_in_dim3A_3 = vector.broadcast %broadcast_in_dim3A : f32 to vector<16xf32>
    %scan3A = arith.constant 0 : i32
    %scan3A_4 = arith.constant 0 : i32
    %scan3A_5 = arith.constant 208 : i32
    %scan3A_6 = arith.addi %scan3A_4, %scan3A_5 : i32
    %scan3A_7 = arith.constant 1 : i32
    %scan3A_8 = scf.for %scan3A_69 = %scan3A_4 to %scan3A_6 step %scan3A_7 iter_args(%scan3A_70 = %scan3A) -> (i32)  : i32 {
      %mul3A_71 = arith.constant 16 : i32
      %mul3A_72 = arith.muli %scan3A_69, %mul3A_71 : i32
      %multiple_of3A = tpu.assume_multiple %mul3A_72, 16 : i32
      %swap3A_73 = arith.index_cast %multiple_of3A : i32 to index
      %swap3A_74 = tpu.vector_load %arg8[%swap3A_73] {strides = array<i32>} : memref<3328xf32, #tpu.memory_space<vmem>>, vector<16xf32>,
      tpu.vector_store %arg8[%swap3A_73], %broadcast_in_dim3A_3 {strides = array<i32>} : memref<3328xf32, #tpu.memory_space<vmem>>, vector<16xf32>,
      %scan3A_75 = arith.constant 0 : i32
      scf.yield %scan3A_75 : i32
    }
    %scan3A_9 = arith.constant 208 : i32
    %swap3A = arith.constant 0 : index
    %swap3A_10 = tpu.vector_load %arg9[%swap3A] {strides = array<i32>} : memref<208xf32, #tpu.memory_space<vmem>>, vector<16xf32>,
    tpu.vector_store %arg9[%swap3A], %broadcast_in_dim3A_3 {strides = array<i32>} : memref<208xf32, #tpu.memory_space<vmem>>, vector<16xf32>,
    %swap3A_11 = arith.constant 16 : index
    %swap3A_12 = tpu.vector_load %arg9[%swap3A_11] {strides = array<i32>} : memref<208xf32, #tpu.memory_space<vmem>>, vector<16xf32>,
    tpu.vector_store %arg9[%swap3A_11], %broadcast_in_dim3A_3 {strides = array<i32>} : memref<208xf32, #tpu.memory_space<vmem>>, vector<16xf32>,
    %swap3A_13 = arith.constant 32 : index
    %swap3A_14 = tpu.vector_load %arg9[%swap3A_13] {strides = array<i32>} : memref<208xf32, #tpu.memory_space<vmem>>, vector<16xf32>,
    tpu.vector_store %arg9[%swap3A_13], %broadcast_in_dim3A_3 {strides = array<i32>} : memref<208xf32, #tpu.memory_space<vmem>>, vector<16xf32>,
    %swap3A_15 = arith.constant 48 : index
    %swap3A_16 = tpu.vector_load %arg9[%swap3A_15] {strides = array<i32>} : memref<208xf32, #tpu.memory_space<vmem>>, vector<16xf32>,
    tpu.vector_store %arg9[%swap3A_15], %broadcast_in_dim3A_3 {strides = array<i32>} : memref<208xf32, #tpu.memory_space<vmem>>, vector<16xf32>,
    %swap3A_17 = arith.constant 64 : index
    %swap3A_18 = tpu.vector_load %arg9[%swap3A_17] {strides = array<i32>} : memref<208xf32, #tpu.memory_space<vmem>>, vector<16xf32>,
    tpu.vector_store %arg9[%swap3A_17], %broadcast_in_dim3A_3 {strides = array<i32>} : memref<208xf32, #tpu.memory_space<vmem>>, vector<16xf32>,
    %swap3A_19 = arith.constant 80 : index
    %swap3A_20 = tpu.vector_load %arg9[%swap3A_19] {strides = array<i32>} : memref<208xf32, #tpu.memory_space<vmem>>, vector<16xf32>,
    tpu.vector_store %arg9[%swap3A_19], %broadcast_in_dim3A_3 {strides = array<i32>} : memref<208xf32, #tpu.memory_space<vmem>>, vector<16xf32>,
    %swap3A_21 = arith.constant 96 : index
    %swap3A_22 = tpu.vector_load %arg9[%swap3A_21] {strides = array<i32>} : memref<208xf32, #tpu.memory_space<vmem>>, vector<16xf32>,
    tpu.vector_store %arg9[%swap3A_21], %broadcast_in_dim3A_3 {strides = array<i32>} : memref<208xf32, #tpu.memory_space<vmem>>, vector<16xf32>,
    %swap3A_23 = arith.constant 112 : index
    %swap3A_24 = tpu.vector_load %arg9[%swap3A_23] {strides = array<i32>} : memref<208xf32, #tpu.memory_space<vmem>>, vector<16xf32>,
    tpu.vector_store %arg9[%swap3A_23], %broadcast_in_dim3A_3 {strides = array<i32>} : memref<208xf32, #tpu.memory_space<vmem>>, vector<16xf32>,
    %swap3A_25 = arith.constant 128 : index
    %swap3A_26 = tpu.vector_load %arg9[%swap3A_25] {strides = array<i32>} : memref<208xf32, #tpu.memory_space<vmem>>, vector<16xf32>,
    tpu.vector_store %arg9[%swap3A_25], %broadcast_in_dim3A_3 {strides = array<i32>} : memref<208xf32, #tpu.memory_space<vmem>>, vector<16xf32>,
    %swap3A_27 = arith.constant 144 : index
    %swap3A_28 = tpu.vector_load %arg9[%swap3A_27] {strides = array<i32>} : memref<208xf32, #tpu.memory_space<vmem>>, vector<16xf32>,
    tpu.vector_store %arg9[%swap3A_27], %broadcast_in_dim3A_3 {strides = array<i32>} : memref<208xf32, #tpu.memory_space<vmem>>, vector<16xf32>,
    %swap3A_29 = arith.constant 160 : index
    %swap3A_30 = tpu.vector_load %arg9[%swap3A_29] {strides = array<i32>} : memref<208xf32, #tpu.memory_space<vmem>>, vector<16xf32>,
    tpu.vector_store %arg9[%swap3A_29], %broadcast_in_dim3A_3 {strides = array<i32>} : memref<208xf32, #tpu.memory_space<vmem>>, vector<16xf32>,
    %swap3A_31 = arith.constant 176 : index
    %swap3A_32 = tpu.vector_load %arg9[%swap3A_31] {strides = array<i32>} : memref<208xf32, #tpu.memory_space<vmem>>, vector<16xf32>,
    tpu.vector_store %arg9[%swap3A_31], %broadcast_in_dim3A_3 {strides = array<i32>} : memref<208xf32, #tpu.memory_space<vmem>>, vector<16xf32>,
    %swap3A_33 = arith.constant 192 : index
    %swap3A_34 = tpu.vector_load %arg9[%swap3A_33] {strides = array<i32>} : memref<208xf32, #tpu.memory_space<vmem>>, vector<16xf32>,
    tpu.vector_store %arg9[%swap3A_33], %broadcast_in_dim3A_3 {strides = array<i32>} : memref<208xf32, #tpu.memory_space<vmem>>, vector<16xf32>,
    %add3A_35 = arith.constant 0 : i32
    %add3A_36 = arith.addi %mul3A_2, %add3A_35 : i32
    %dma_start3A = tpu.memref_slice %arg2[%add3A_36] : memref<32000000xf32, #tpu.memory_space<hbm>> -> memref<8000xf32, #tpu.memory_space<hbm>>
    %dma_start3A_37 = tpu.memref_slice %arg2[%add3A_36] : memref<32000000xf32, #tpu.memory_space<hbm>> -> memref<8000xf32, #tpu.memory_space<hbm>>
    tpu.enqueue_dma source(%dma_start3A_37 : memref<8000xf32, #tpu.memory_space<hbm>>) target(%arg5 : memref<8000xf32, #tpu.memory_space<vmem>>) target_semaphore(%arg13 : memref<!tpu.dma_semaphore, #tpu.memory_space<semaphore_mem>>)
    %scan3A_38 = arith.constant 0 : i32
    %scan3A_39 = arith.constant 0 : i32
    %scan3A_40 = arith.constant 62 : i32
    %scan3A_41 = arith.addi %scan3A_39, %scan3A_40 : i32
    %scan3A_42 = arith.constant 1 : i32
    %scan3A_43 = scf.for %scan3A_69 = %scan3A_39 to %scan3A_41 step %scan3A_42 iter_args(%scan3A_70 = %scan3A_38) -> (i32)  : i32 {
      %dma_wait3A_71 = arith.constant 0 : i32
      %dma_wait3A_72 = tpu.memref_slice %arg2[%dma_wait3A_71] : memref<32000000xf32, #tpu.memory_space<hbm>> -> memref<8000xf32, #tpu.memory_space<hbm>>
      %dma_wait3A_73 = arith.constant 0 : i32
      %dma_wait3A_74 = tpu.memref_slice %arg2[%dma_wait3A_73] : memref<32000000xf32, #tpu.memory_space<hbm>> -> memref<8000xf32, #tpu.memory_space<hbm>>
      tpu.wait_dma2 semaphore(%arg13 : memref<!tpu.dma_semaphore, #tpu.memory_space<semaphore_mem>>) src(%dma_wait3A_74 : memref<8000xf32, #tpu.memory_space<hbm>>) dst(%arg5 : memref<8000xf32, #tpu.memory_space<vmem>>)
      %mul3A_75 = arith.constant 2 : i32
      %mul3A_76 = arith.muli %mul3A_75, %scan3A_69 : i32
      %add3A_77 = arith.constant 1 : i32
      %add3A_78 = arith.addi %mul3A_76, %add3A_77 : i32
      %mul3A_79 = arith.constant 8000 : i32
      %mul3A_80 = arith.muli %add3A_78, %mul3A_79 : i32
      %add3A_81 = arith.addi %mul3A_2, %mul3A_80 : i32
      %dma_start3A_82 = tpu.memref_slice %arg2[%add3A_81] : memref<32000000xf32, #tpu.memory_space<hbm>> -> memref<8000xf32, #tpu.memory_space<hbm>>
      %dma_start3A_83 = tpu.memref_slice %arg2[%add3A_81] : memref<32000000xf32, #tpu.memory_space<hbm>> -> memref<8000xf32, #tpu.memory_space<hbm>>
      tpu.enqueue_dma source(%dma_start3A_83 : memref<8000xf32, #tpu.memory_space<hbm>>) target(%arg6 : memref<8000xf32, #tpu.memory_space<vmem>>) target_semaphore(%arg14 : memref<!tpu.dma_semaphore, #tpu.memory_space<semaphore_mem>>)
      %mul3A_84 = arith.constant 2 : i32
      %mul3A_85 = arith.muli %mul3A_84, %scan3A_69 : i32
      %scan3A_86 = arith.constant 0 : i32
      %scan3A_87 = arith.constant 0 : i32
      %scan3A_88 = arith.constant 25 : i32
      %scan3A_89 = arith.addi %scan3A_87, %scan3A_88 : i32
      %scan3A_90 = arith.constant 1 : i32
      %scan3A_91 = scf.for %scan3A_118 = %scan3A_87 to %scan3A_89 step %scan3A_90 iter_args(%scan3A_119 = %scan3A_86) -> (i32)  : i32 {
        %mul3A_120 = arith.constant 320 : i32
        %mul3A_121 = arith.muli %scan3A_118, %mul3A_120 : i32
        %multiple_of3A = tpu.assume_multiple %mul3A_121, 16 : i32
        %get3A = arith.index_cast %multiple_of3A : i32 to index
        %get3A_122 = tpu.vector_load %arg5[%get3A] {strides = array<i32>} : memref<8000xf32, #tpu.memory_space<vmem>>, vector<16xf32>,
        %add3A_123 = arith.constant 16 : i32
        %add3A_124 = arith.addi %multiple_of3A, %add3A_123 : i32
        %get3A_125 = arith.index_cast %add3A_124 : i32 to index
        %get3A_126 = tpu.vector_load %arg5[%get3A_125] {strides = array<i32>} : memref<8000xf32, #tpu.memory_space<vmem>>, vector<16xf32>,
        %max3A = arith.maximumf %get3A_122, %get3A_126 : vector<16xf32>
        %add3A_127 = arith.constant 32 : i32
        %add3A_128 = arith.addi %multiple_of3A, %add3A_127 : i32
        %get3A_129 = arith.index_cast %add3A_128 : i32 to index
        %get3A_130 = tpu.vector_load %arg5[%get3A_129] {strides = array<i32>} : memref<8000xf32, #tpu.memory_space<vmem>>, vector<16xf32>,
        %max3A_131 = arith.maximumf %max3A, %get3A_130 : vector<16xf32>
        %add3A_132 = arith.constant 48 : i32
        %add3A_133 = arith.addi %multiple_of3A, %add3A_132 : i32
        %get3A_134 = arith.index_cast %add3A_133 : i32 to index
        %get3A_135 = tpu.vector_load %arg5[%get3A_134] {strides = array<i32>} : memref<8000xf32, #tpu.memory_space<vmem>>, vector<16xf32>,
        %max3A_136 = arith.maximumf %max3A_131, %get3A_135 : vector<16xf32>
        %add3A_137 = arith.constant 64 : i32
        %add3A_138 = arith.addi %multiple_of3A, %add3A_137 : i32
        %get3A_139 = arith.index_cast %add3A_138 : i32 to index
        %get3A_140 = tpu.vector_load %arg5[%get3A_139] {strides = array<i32>} : memref<8000xf32, #tpu.memory_space<vmem>>, vector<16xf32>,
        %max3A_141 = arith.maximumf %max3A_136, %get3A_140 : vector<16xf32>
        %add3A_142 = arith.constant 80 : i32
        %add3A_143 = arith.addi %multiple_of3A, %add3A_142 : i32
        %get3A_144 = arith.index_cast %add3A_143 : i32 to index
        %get3A_145 = tpu.vector_load %arg5[%get3A_144] {strides = array<i32>} : memref<8000xf32, #tpu.memory_space<vmem>>, vector<16xf32>,
        %max3A_146 = arith.maximumf %max3A_141, %get3A_145 : vector<16xf32>
        %add3A_147 = arith.constant 96 : i32
        %add3A_148 = arith.addi %multiple_of3A, %add3A_147 : i32
        %get3A_149 = arith.index_cast %add3A_148 : i32 to index
        %get3A_150 = tpu.vector_load %arg5[%get3A_149] {strides = array<i32>} : memref<8000xf32, #tpu.memory_space<vmem>>, vector<16xf32>,
        %max3A_151 = arith.maximumf %max3A_146, %get3A_150 : vector<16xf32>
        %add3A_152 = arith.constant 112 : i32
        %add3A_153 = arith.addi %multiple_of3A, %add3A_152 : i32
        %get3A_154 = arith.index_cast %add3A_153 : i32 to index
        %get3A_155 = tpu.vector_load %arg5[%get3A_154] {strides = array<i32>} : memref<8000xf32, #tpu.memory_space<vmem>>, vector<16xf32>,
        %max3A_156 = arith.maximumf %max3A_151, %get3A_155 : vector<16xf32>
        %add3A_157 = arith.constant 128 : i32
        %add3A_158 = arith.addi %multiple_of3A, %add3A_157 : i32
        %get3A_159 = arith.index_cast %add3A_158 : i32 to index
        %get3A_160 = tpu.vector_load %arg5[%get3A_159] {strides = array<i32>} : memref<8000xf32, #tpu.memory_space<vmem>>, vector<16xf32>,
        %max3A_161 = arith.maximumf %max3A_156, %get3A_160 : vector<16xf32>
        %add3A_162 = arith.constant 144 : i32
        %add3A_163 = arith.addi %multiple_of3A, %add3A_162 : i32
        %get3A_164 = arith.index_cast %add3A_163 : i32 to index
        %get3A_165 = tpu.vector_load %arg5[%get3A_164] {strides = array<i32>} : memref<8000xf32, #tpu.memory_space<vmem>>, vector<16xf32>,
        %max3A_166 = arith.maximumf %max3A_161, %get3A_165 : vector<16xf32>
        %add3A_167 = arith.constant 160 : i32
        %add3A_168 = arith.addi %multiple_of3A, %add3A_167 : i32
        %get3A_169 = arith.index_cast %add3A_168 : i32 to index
        %get3A_170 = tpu.vector_load %arg5[%get3A_169] {strides = array<i32>} : memref<8000xf32, #tpu.memory_space<vmem>>, vector<16xf32>,
        %max3A_171 = arith.maximumf %max3A_166, %get3A_170 : vector<16xf32>
        %add3A_172 = arith.constant 176 : i32
        %add3A_173 = arith.addi %multiple_of3A, %add3A_172 : i32
        %get3A_174 = arith.index_cast %add3A_173 : i32 to index
        %get3A_175 = tpu.vector_load %arg5[%get3A_174] {strides = array<i32>} : memref<8000xf32, #tpu.memory_space<vmem>>, vector<16xf32>,
        %max3A_176 = arith.maximumf %max3A_171, %get3A_175 : vector<16xf32>
        %add3A_177 = arith.constant 192 : i32
        %add3A_178 = arith.addi %multiple_of3A, %add3A_177 : i32
        %get3A_179 = arith.index_cast %add3A_178 : i32 to index
        %get3A_180 = tpu.vector_load %arg5[%get3A_179] {strides = array<i32>} : memref<8000xf32, #tpu.memory_space<vmem>>, vector<16xf32>,
        %max3A_181 = arith.maximumf %max3A_176, %get3A_180 : vector<16xf32>
        %add3A_182 = arith.constant 208 : i32
        %add3A_183 = arith.addi %multiple_of3A, %add3A_182 : i32
        %get3A_184 = arith.index_cast %add3A_183 : i32 to index
        %get3A_185 = tpu.vector_load %arg5[%get3A_184] {strides = array<i32>} : memref<8000xf32, #tpu.memory_space<vmem>>, vector<16xf32>,
        %max3A_186 = arith.maximumf %max3A_181, %get3A_185 : vector<16xf32>
        %add3A_187 = arith.constant 224 : i32
        %add3A_188 = arith.addi %multiple_of3A, %add3A_187 : i32
        %get3A_189 = arith.index_cast %add3A_188 : i32 to index
        %get3A_190 = tpu.vector_load %arg5[%get3A_189] {strides = array<i32>} : memref<8000xf32, #tpu.memory_space<vmem>>, vector<16xf32>,
        %max3A_191 = arith.maximumf %max3A_186, %get3A_190 : vector<16xf32>
        %add3A_192 = arith.constant 240 : i32
        %add3A_193 = arith.addi %multiple_of3A, %add3A_192 : i32
        %get3A_194 = arith.index_cast %add3A_193 : i32 to index
        %get3A_195 = tpu.vector_load %arg5[%get3A_194] {strides = array<i32>} : memref<8000xf32, #tpu.memory_space<vmem>>, vector<16xf32>,
        %max3A_196 = arith.maximumf %max3A_191, %get3A_195 : vector<16xf32>
        %add3A_197 = arith.constant 256 : i32
        %add3A_198 = arith.addi %multiple_of3A, %add3A_197 : i32
        %get3A_199 = arith.index_cast %add3A_198 : i32 to index
        %get3A_200 = tpu.vector_load %arg5[%get3A_199] {strides = array<i32>} : memref<8000xf32, #tpu.memory_space<vmem>>, vector<16xf32>,
        %max3A_201 = arith.maximumf %max3A_196, %get3A_200 : vector<16xf32>
        %add3A_202 = arith.constant 272 : i32
        %add3A_203 = arith.addi %multiple_of3A, %add3A_202 : i32
        %get3A_204 = arith.index_cast %add3A_203 : i32 to index
        %get3A_205 = tpu.vector_load %arg5[%get3A_204] {strides = array<i32>} : memref<8000xf32, #tpu.memory_space<vmem>>, vector<16xf32>,
        %max3A_206 = arith.maximumf %max3A_201, %get3A_205 : vector<16xf32>
        %add3A_207 = arith.constant 288 : i32
        %add3A_208 = arith.addi %multiple_of3A, %add3A_207 : i32
        %get3A_209 = arith.index_cast %add3A_208 : i32 to index
        %get3A_210 = tpu.vector_load %arg5[%get3A_209] {strides = array<i32>} : memref<8000xf32, #tpu.memory_space<vmem>>, vector<16xf32>,
        %max3A_211 = arith.maximumf %max3A_206, %get3A_210 : vector<16xf32>
        %add3A_212 = arith.constant 304 : i32
        %add3A_213 = arith.addi %multiple_of3A, %add3A_212 : i32
        %get3A_214 = arith.index_cast %add3A_213 : i32 to index
        %get3A_215 = tpu.vector_load %arg5[%get3A_214] {strides = array<i32>} : memref<8000xf32, #tpu.memory_space<vmem>>, vector<16xf32>,
        %max3A_216 = arith.maximumf %max3A_211, %get3A_215 : vector<16xf32>
        %mul3A_217 = arith.constant 25 : i32
        %mul3A_218 = arith.muli %mul3A_85, %mul3A_217 : i32
        %add3A_219 = arith.addi %mul3A_218, %scan3A_118 : i32
        %mul3A_220 = arith.constant 16 : i32
        %mul3A_221 = arith.muli %add3A_219, %mul3A_220 : i32
        %multiple_of3A_222 = tpu.assume_multiple %mul3A_221, 16 : i32
        %swap3A_223 = arith.index_cast %multiple_of3A_222 : i32 to index
        %swap3A_224 = tpu.vector_load %arg7[%swap3A_223] {strides = array<i32>} : memref<50000xf32, #tpu.memory_space<vmem>>, vector<16xf32>,
        tpu.vector_store %arg7[%swap3A_223], %max3A_216 {strides = array<i32>} : memref<50000xf32, #tpu.memory_space<vmem>>, vector<16xf32>,
        %reduce_max3A = arith.constant true
        %reduce_max3A_225 = vector.broadcast %reduce_max3A : i1 to vector<16xi1>
        %reduce_max3A_226 = tpu.scan <max>, %max3A_216 masked %reduce_max3A_225 : vector<16xf32>, vector<16xi1> -> vector<16xf32>
        %reduce_max3A_227 = vector.extract %reduce_max3A_226[15] : f32 from vector<16xf32>
        %jit3A = arith.constant 16 : i32
        %div3A = arith.divsi %add3A_219, %jit3A : i32
        %sign3A = arith.constant 0 : i32
        %sign3A_228 = arith.cmpi sgt, %add3A_219, %sign3A : i32
        %sign3A_229 = arith.extui %sign3A_228 : i1 to i32
        %sign3A_230 = arith.constant 0 : i32
        %sign3A_231 = arith.cmpi slt, %add3A_219, %sign3A_230 : i32
        %sign3A_232 = arith.extui %sign3A_231 : i1 to i32
        %sign3A_233 = arith.subi %sign3A_229, %sign3A_232 : i32
        %sign3A_234 = arith.constant 0 : i32
        %sign3A_235 = arith.cmpi sgt, %jit3A, %sign3A_234 : i32
        %sign3A_236 = arith.extui %sign3A_235 : i1 to i32
        %sign3A_237 = arith.constant 0 : i32
        %sign3A_238 = arith.cmpi slt, %jit3A, %sign3A_237 : i32
        %sign3A_239 = arith.extui %sign3A_238 : i1 to i32
        %sign3A_240 = arith.subi %sign3A_236, %sign3A_239 : i32
        %ne3A = arith.cmpi ne, %sign3A_233, %sign3A_240 : i32
        %rem3A = arith.remsi %add3A_219, %jit3A : i32
        %ne3A_241 = arith.constant 0 : i32
        %ne3A_242 = arith.cmpi ne, %rem3A, %ne3A_241 : i32
        %and3A = arith.andi %ne3A, %ne3A_242 : i1
        %sub3A = arith.constant 1 : i32
        %sub3A_243 = arith.subi %div3A, %sub3A : i32
        %select_n3A = arith.select %and3A, %sub3A_243, %div3A : i32
        %mul3A_244 = arith.constant 16 : i32
        %mul3A_245 = arith.muli %select_n3A, %mul3A_244 : i32
        %multiple_of3A_246 = tpu.assume_multiple %mul3A_245, 16 : i32
        %jit3A_247 = arith.constant 16 : i32
        %eq3A = arith.constant 0 : i32
        %eq3A_248 = arith.cmpi eq, %jit3A_247, %eq3A : i32
        %jit3A_249 = arith.constant 1 : i32
        %select_n3A_250 = arith.select %eq3A_248, %jit3A_249, %jit3A_247 : i32
        %rem3A_251 = arith.remsi %add3A_219, %select_n3A_250 : i32
        %ne3A_252 = arith.constant 0 : i32
        %ne3A_253 = arith.cmpi ne, %rem3A_251, %ne3A_252 : i32
        %lt3A = arith.constant 0 : i32
        %lt3A_254 = arith.cmpi slt, %rem3A_251, %lt3A : i32
        %lt3A_255 = arith.constant 0 : i32
        %lt3A_256 = arith.cmpi slt, %select_n3A_250, %lt3A_255 : i32
        %ne3A_257 = arith.xori %lt3A_254, %lt3A_256 : i1
        %and3A_258 = arith.andi %ne3A_257, %ne3A_253 : i1
        %add3A_259 = arith.addi %rem3A_251, %select_n3A_250 : i32
        %select_n3A_260 = arith.select %and3A_258, %add3A_259, %rem3A_251 : i32
        %get3A_261 = arith.index_cast %multiple_of3A_246 : i32 to index
        %get3A_262 = tpu.vector_load %arg8[%get3A_261] {strides = array<i32>} : memref<3328xf32, #tpu.memory_space<vmem>>, vector<16xf32>,
        %eq3A_263 = vector.broadcast %select_n3A_260 : i32 to vector<16xi32>
        %eq3A_264 = arith.cmpi eq, %iota3A, %eq3A_263 : vector<16xi32>
        %broadcast_in_dim3A_265 = vector.broadcast %reduce_max3A_227 : f32 to vector<16xf32>
        %select_n3A_266 = arith.select %eq3A_264, %broadcast_in_dim3A_265, %get3A_262 : vector<16xi1>, vector<16xf32>
        %swap3A_267 = arith.index_cast %multiple_of3A_246 : i32 to index
        %swap3A_268 = tpu.vector_load %arg8[%swap3A_267] {strides = array<i32>} : memref<3328xf32, #tpu.memory_space<vmem>>, vector<16xf32>,
        tpu.vector_store %arg8[%swap3A_267], %select_n3A_266 {strides = array<i32>} : memref<3328xf32, #tpu.memory_space<vmem>>, vector<16xf32>,
        %scan3A_269 = arith.constant 0 : i32
        scf.yield %scan3A_269 : i32
      }
      %scan3A_92 = arith.constant 25 : i32
      %dma_wait3A_93 = arith.constant 0 : i32
      %dma_wait3A_94 = tpu.memref_slice %arg2[%dma_wait3A_93] : memref<32000000xf32, #tpu.memory_space<hbm>> -> memref<8000xf32, #tpu.memory_space<hbm>>
      %dma_wait3A_95 = arith.constant 0 : i32
      %dma_wait3A_96 = tpu.memref_slice %arg2[%dma_wait3A_95] : memref<32000000xf32, #tpu.memory_space<hbm>> -> memref<8000xf32, #tpu.memory_space<hbm>>
      tpu.wait_dma2 semaphore(%arg14 : memref<!tpu.dma_semaphore, #tpu.memory_space<semaphore_mem>>) src(%dma_wait3A_96 : memref<8000xf32, #tpu.memory_space<hbm>>) dst(%arg6 : memref<8000xf32, #tpu.memory_space<vmem>>)
      %mul3A_97 = arith.constant 2 : i32
      %mul3A_98 = arith.muli %mul3A_97, %scan3A_69 : i32
      %add3A_99 = arith.constant 2 : i32
      %add3A_100 = arith.addi %mul3A_98, %add3A_99 : i32
      %mul3A_101 = arith.constant 8000 : i32
      %mul3A_102 = arith.muli %add3A_100, %mul3A_101 : i32
      %add3A_103 = arith.addi %mul3A_2, %mul3A_102 : i32
      %dma_start3A_104 = tpu.memref_slice %arg2[%add3A_103] : memref<32000000xf32, #tpu.memory_space<hbm>> -> memref<8000xf32, #tpu.memory_space<hbm>>
      %dma_start3A_105 = tpu.memref_slice %arg2[%add3A_103] : memref<32000000xf32, #tpu.memory_space<hbm>> -> memref<8000xf32, #tpu.memory_space<hbm>>
      tpu.enqueue_dma source(%dma_start3A_105 : memref<8000xf32, #tpu.memory_space<hbm>>) target(%arg5 : memref<8000xf32, #tpu.memory_space<vmem>>) target_semaphore(%arg13 : memref<!tpu.dma_semaphore, #tpu.memory_space<semaphore_mem>>)
      %mul3A_106 = arith.constant 2 : i32
      %mul3A_107 = arith.muli %mul3A_106, %scan3A_69 : i32
      %add3A_108 = arith.constant 1 : i32
      %add3A_109 = arith.addi %mul3A_107, %add3A_108 : i32
      %scan3A_110 = arith.constant 0 : i32
      %scan3A_111 = arith.constant 0 : i32
      %scan3A_112 = arith.constant 25 : i32
      %scan3A_113 = arith.addi %scan3A_111, %scan3A_112 : i32
      %scan3A_114 = arith.constant 1 : i32
      %scan3A_115 = scf.for %scan3A_118 = %scan3A_111 to %scan3A_113 step %scan3A_114 iter_args(%scan3A_119 = %scan3A_110) -> (i32)  : i32 {
        %mul3A_120 = arith.constant 320 : i32
        %mul3A_121 = arith.muli %scan3A_118, %mul3A_120 : i32
        %multiple_of3A = tpu.assume_multiple %mul3A_121, 16 : i32
        %get3A = arith.index_cast %multiple_of3A : i32 to index
        %get3A_122 = tpu.vector_load %arg6[%get3A] {strides = array<i32>} : memref<8000xf32, #tpu.memory_space<vmem>>, vector<16xf32>,
        %add3A_123 = arith.constant 16 : i32
        %add3A_124 = arith.addi %multiple_of3A, %add3A_123 : i32
        %get3A_125 = arith.index_cast %add3A_124 : i32 to index
        %get3A_126 = tpu.vector_load %arg6[%get3A_125] {strides = array<i32>} : memref<8000xf32, #tpu.memory_space<vmem>>, vector<16xf32>,
        %max3A = arith.maximumf %get3A_122, %get3A_126 : vector<16xf32>
        %add3A_127 = arith.constant 32 : i32
        %add3A_128 = arith.addi %multiple_of3A, %add3A_127 : i32
        %get3A_129 = arith.index_cast %add3A_128 : i32 to index
        %get3A_130 = tpu.vector_load %arg6[%get3A_129] {strides = array<i32>} : memref<8000xf32, #tpu.memory_space<vmem>>, vector<16xf32>,
        %max3A_131 = arith.maximumf %max3A, %get3A_130 : vector<16xf32>
        %add3A_132 = arith.constant 48 : i32
        %add3A_133 = arith.addi %multiple_of3A, %add3A_132 : i32
        %get3A_134 = arith.index_cast %add3A_133 : i32 to index
        %get3A_135 = tpu.vector_load %arg6[%get3A_134] {strides = array<i32>} : memref<8000xf32, #tpu.memory_space<vmem>>, vector<16xf32>,
        %max3A_136 = arith.maximumf %max3A_131, %get3A_135 : vector<16xf32>
        %add3A_137 = arith.constant 64 : i32
        %add3A_138 = arith.addi %multiple_of3A, %add3A_137 : i32
        %get3A_139 = arith.index_cast %add3A_138 : i32 to index
        %get3A_140 = tpu.vector_load %arg6[%get3A_139] {strides = array<i32>} : memref<8000xf32, #tpu.memory_space<vmem>>, vector<16xf32>,
        %max3A_141 = arith.maximumf %max3A_136, %get3A_140 : vector<16xf32>
        %add3A_142 = arith.constant 80 : i32
        %add3A_143 = arith.addi %multiple_of3A, %add3A_142 : i32
        %get3A_144 = arith.index_cast %add3A_143 : i32 to index
        %get3A_145 = tpu.vector_load %arg6[%get3A_144] {strides = array<i32>} : memref<8000xf32, #tpu.memory_space<vmem>>, vector<16xf32>,
        %max3A_146 = arith.maximumf %max3A_141, %get3A_145 : vector<16xf32>
        %add3A_147 = arith.constant 96 : i32
        %add3A_148 = arith.addi %multiple_of3A, %add3A_147 : i32
        %get3A_149 = arith.index_cast %add3A_148 : i32 to index
        %get3A_150 = tpu.vector_load %arg6[%get3A_149] {strides = array<i32>} : memref<8000xf32, #tpu.memory_space<vmem>>, vector<16xf32>,
        %max3A_151 = arith.maximumf %max3A_146, %get3A_150 : vector<16xf32>
        %add3A_152 = arith.constant 112 : i32
        %add3A_153 = arith.addi %multiple_of3A, %add3A_152 : i32
        %get3A_154 = arith.index_cast %add3A_153 : i32 to index
        %get3A_155 = tpu.vector_load %arg6[%get3A_154] {strides = array<i32>} : memref<8000xf32, #tpu.memory_space<vmem>>, vector<16xf32>,
        %max3A_156 = arith.maximumf %max3A_151, %get3A_155 : vector<16xf32>
        %add3A_157 = arith.constant 128 : i32
        %add3A_158 = arith.addi %multiple_of3A, %add3A_157 : i32
        %get3A_159 = arith.index_cast %add3A_158 : i32 to index
        %get3A_160 = tpu.vector_load %arg6[%get3A_159] {strides = array<i32>} : memref<8000xf32, #tpu.memory_space<vmem>>, vector<16xf32>,
        %max3A_161 = arith.maximumf %max3A_156, %get3A_160 : vector<16xf32>
        %add3A_162 = arith.constant 144 : i32
        %add3A_163 = arith.addi %multiple_of3A, %add3A_162 : i32
        %get3A_164 = arith.index_cast %add3A_163 : i32 to index
        %get3A_165 = tpu.vector_load %arg6[%get3A_164] {strides = array<i32>} : memref<8000xf32, #tpu.memory_space<vmem>>, vector<16xf32>,
        %max3A_166 = arith.maximumf %max3A_161, %get3A_165 : vector<16xf32>
        %add3A_167 = arith.constant 160 : i32
        %add3A_168 = arith.addi %multiple_of3A, %add3A_167 : i32
        %get3A_169 = arith.index_cast %add3A_168 : i32 to index
        %get3A_170 = tpu.vector_load %arg6[%get3A_169] {strides = array<i32>} : memref<8000xf32, #tpu.memory_space<vmem>>, vector<16xf32>,
        %max3A_171 = arith.maximumf %max3A_166, %get3A_170 : vector<16xf32>
        %add3A_172 = arith.constant 176 : i32
        %add3A_173 = arith.addi %multiple_of3A, %add3A_172 : i32
        %get3A_174 = arith.index_cast %add3A_173 : i32 to index
        %get3A_175 = tpu.vector_load %arg6[%get3A_174] {strides = array<i32>} : memref<8000xf32, #tpu.memory_space<vmem>>, vector<16xf32>,
        %max3A_176 = arith.maximumf %max3A_171, %get3A_175 : vector<16xf32>
        %add3A_177 = arith.constant 192 : i32
        %add3A_178 = arith.addi %multiple_of3A, %add3A_177 : i32
        %get3A_179 = arith.index_cast %add3A_178 : i32 to index
        %get3A_180 = tpu.vector_load %arg6[%get3A_179] {strides = array<i32>} : memref<8000xf32, #tpu.memory_space<vmem>>, vector<16xf32>,
        %max3A_181 = arith.maximumf %max3A_176, %get3A_180 : vector<16xf32>
        %add3A_182 = arith.constant 208 : i32
        %add3A_183 = arith.addi %multiple_of3A, %add3A_182 : i32
        %get3A_184 = arith.index_cast %add3A_183 : i32 to index
        %get3A_185 = tpu.vector_load %arg6[%get3A_184] {strides = array<i32>} : memref<8000xf32, #tpu.memory_space<vmem>>, vector<16xf32>,
        %max3A_186 = arith.maximumf %max3A_181, %get3A_185 : vector<16xf32>
        %add3A_187 = arith.constant 224 : i32
        %add3A_188 = arith.addi %multiple_of3A, %add3A_187 : i32
        %get3A_189 = arith.index_cast %add3A_188 : i32 to index
        %get3A_190 = tpu.vector_load %arg6[%get3A_189] {strides = array<i32>} : memref<8000xf32, #tpu.memory_space<vmem>>, vector<16xf32>,
        %max3A_191 = arith.maximumf %max3A_186, %get3A_190 : vector<16xf32>
        %add3A_192 = arith.constant 240 : i32
        %add3A_193 = arith.addi %multiple_of3A, %add3A_192 : i32
        %get3A_194 = arith.index_cast %add3A_193 : i32 to index
        %get3A_195 = tpu.vector_load %arg6[%get3A_194] {strides = array<i32>} : memref<8000xf32, #tpu.memory_space<vmem>>, vector<16xf32>,
        %max3A_196 = arith.maximumf %max3A_191, %get3A_195 : vector<16xf32>
        %add3A_197 = arith.constant 256 : i32
        %add3A_198 = arith.addi %multiple_of3A, %add3A_197 : i32
        %get3A_199 = arith.index_cast %add3A_198 : i32 to index
        %get3A_200 = tpu.vector_load %arg6[%get3A_199] {strides = array<i32>} : memref<8000xf32, #tpu.memory_space<vmem>>, vector<16xf32>,
        %max3A_201 = arith.maximumf %max3A_196, %get3A_200 : vector<16xf32>
        %add3A_202 = arith.constant 272 : i32
        %add3A_203 = arith.addi %multiple_of3A, %add3A_202 : i32
        %get3A_204 = arith.index_cast %add3A_203 : i32 to index
        %get3A_205 = tpu.vector_load %arg6[%get3A_204] {strides = array<i32>} : memref<8000xf32, #tpu.memory_space<vmem>>, vector<16xf32>,
        %max3A_206 = arith.maximumf %max3A_201, %get3A_205 : vector<16xf32>
        %add3A_207 = arith.constant 288 : i32
        %add3A_208 = arith.addi %multiple_of3A, %add3A_207 : i32
        %get3A_209 = arith.index_cast %add3A_208 : i32 to index
        %get3A_210 = tpu.vector_load %arg6[%get3A_209] {strides = array<i32>} : memref<8000xf32, #tpu.memory_space<vmem>>, vector<16xf32>,
        %max3A_211 = arith.maximumf %max3A_206, %get3A_210 : vector<16xf32>
        %add3A_212 = arith.constant 304 : i32
        %add3A_213 = arith.addi %multiple_of3A, %add3A_212 : i32
        %get3A_214 = arith.index_cast %add3A_213 : i32 to index
        %get3A_215 = tpu.vector_load %arg6[%get3A_214] {strides = array<i32>} : memref<8000xf32, #tpu.memory_space<vmem>>, vector<16xf32>,
        %max3A_216 = arith.maximumf %max3A_211, %get3A_215 : vector<16xf32>
        %mul3A_217 = arith.constant 25 : i32
        %mul3A_218 = arith.muli %add3A_109, %mul3A_217 : i32
        %add3A_219 = arith.addi %mul3A_218, %scan3A_118 : i32
        %mul3A_220 = arith.constant 16 : i32
        %mul3A_221 = arith.muli %add3A_219, %mul3A_220 : i32
        %multiple_of3A_222 = tpu.assume_multiple %mul3A_221, 16 : i32
        %swap3A_223 = arith.index_cast %multiple_of3A_222 : i32 to index
        %swap3A_224 = tpu.vector_load %arg7[%swap3A_223] {strides = array<i32>} : memref<50000xf32, #tpu.memory_space<vmem>>, vector<16xf32>,
        tpu.vector_store %arg7[%swap3A_223], %max3A_216 {strides = array<i32>} : memref<50000xf32, #tpu.memory_space<vmem>>, vector<16xf32>,
        %reduce_max3A = arith.constant true
        %reduce_max3A_225 = vector.broadcast %reduce_max3A : i1 to vector<16xi1>
        %reduce_max3A_226 = tpu.scan <max>, %max3A_216 masked %reduce_max3A_225 : vector<16xf32>, vector<16xi1> -> vector<16xf32>
        %reduce_max3A_227 = vector.extract %reduce_max3A_226[15] : f32 from vector<16xf32>
        %jit3A = arith.constant 16 : i32
        %div3A = arith.divsi %add3A_219, %jit3A : i32
        %sign3A = arith.constant 0 : i32
        %sign3A_228 = arith.cmpi sgt, %add3A_219, %sign3A : i32
        %sign3A_229 = arith.extui %sign3A_228 : i1 to i32
        %sign3A_230 = arith.constant 0 : i32
        %sign3A_231 = arith.cmpi slt, %add3A_219, %sign3A_230 : i32
        %sign3A_232 = arith.extui %sign3A_231 : i1 to i32
        %sign3A_233 = arith.subi %sign3A_229, %sign3A_232 : i32
        %sign3A_234 = arith.constant 0 : i32
        %sign3A_235 = arith.cmpi sgt, %jit3A, %sign3A_234 : i32
        %sign3A_236 = arith.extui %sign3A_235 : i1 to i32
        %sign3A_237 = arith.constant 0 : i32
        %sign3A_238 = arith.cmpi slt, %jit3A, %sign3A_237 : i32
        %sign3A_239 = arith.extui %sign3A_238 : i1 to i32
        %sign3A_240 = arith.subi %sign3A_236, %sign3A_239 : i32
        %ne3A = arith.cmpi ne, %sign3A_233, %sign3A_240 : i32
        %rem3A = arith.remsi %add3A_219, %jit3A : i32
        %ne3A_241 = arith.constant 0 : i32
        %ne3A_242 = arith.cmpi ne, %rem3A, %ne3A_241 : i32
        %and3A = arith.andi %ne3A, %ne3A_242 : i1
        %sub3A = arith.constant 1 : i32
        %sub3A_243 = arith.subi %div3A, %sub3A : i32
        %select_n3A = arith.select %and3A, %sub3A_243, %div3A : i32
        %mul3A_244 = arith.constant 16 : i32
        %mul3A_245 = arith.muli %select_n3A, %mul3A_244 : i32
        %multiple_of3A_246 = tpu.assume_multiple %mul3A_245, 16 : i32
        %jit3A_247 = arith.constant 16 : i32
        %eq3A = arith.constant 0 : i32
        %eq3A_248 = arith.cmpi eq, %jit3A_247, %eq3A : i32
        %jit3A_249 = arith.constant 1 : i32
        %select_n3A_250 = arith.select %eq3A_248, %jit3A_249, %jit3A_247 : i32
        %rem3A_251 = arith.remsi %add3A_219, %select_n3A_250 : i32
        %ne3A_252 = arith.constant 0 : i32
        %ne3A_253 = arith.cmpi ne, %rem3A_251, %ne3A_252 : i32
        %lt3A = arith.constant 0 : i32
        %lt3A_254 = arith.cmpi slt, %rem3A_251, %lt3A : i32
        %lt3A_255 = arith.constant 0 : i32
        %lt3A_256 = arith.cmpi slt, %select_n3A_250, %lt3A_255 : i32
        %ne3A_257 = arith.xori %lt3A_254, %lt3A_256 : i1
        %and3A_258 = arith.andi %ne3A_257, %ne3A_253 : i1
        %add3A_259 = arith.addi %rem3A_251, %select_n3A_250 : i32
        %select_n3A_260 = arith.select %and3A_258, %add3A_259, %rem3A_251 : i32
        %get3A_261 = arith.index_cast %multiple_of3A_246 : i32 to index
        %get3A_262 = tpu.vector_load %arg8[%get3A_261] {strides = array<i32>} : memref<3328xf32, #tpu.memory_space<vmem>>, vector<16xf32>,
        %eq3A_263 = vector.broadcast %select_n3A_260 : i32 to vector<16xi32>
        %eq3A_264 = arith.cmpi eq, %iota3A, %eq3A_263 : vector<16xi32>
        %broadcast_in_dim3A_265 = vector.broadcast %reduce_max3A_227 : f32 to vector<16xf32>
        %select_n3A_266 = arith.select %eq3A_264, %broadcast_in_dim3A_265, %get3A_262 : vector<16xi1>, vector<16xf32>
        %swap3A_267 = arith.index_cast %multiple_of3A_246 : i32 to index
        %swap3A_268 = tpu.vector_load %arg8[%swap3A_267] {strides = array<i32>} : memref<3328xf32, #tpu.memory_space<vmem>>, vector<16xf32>,
        tpu.vector_store %arg8[%swap3A_267], %select_n3A_266 {strides = array<i32>} : memref<3328xf32, #tpu.memory_space<vmem>>, vector<16xf32>,
        %scan3A_269 = arith.constant 0 : i32
        scf.yield %scan3A_269 : i32
      }
      %scan3A_116 = arith.constant 25 : i32
      %scan3A_117 = arith.constant 0 : i32
      scf.yield %scan3A_117 : i32
    }
    %scan3A_44 = arith.constant 62 : i32
    %dma_wait3A = arith.constant 0 : i32
    %dma_wait3A_45 = tpu.memref_slice %arg2[%dma_wait3A] : memref<32000000xf32, #tpu.memory_space<hbm>> -> memref<8000xf32, #tpu.memory_space<hbm>>
    %dma_wait3A_46 = arith.constant 0 : i32
    %dma_wait3A_47 = tpu.memref_slice %arg2[%dma_wait3A_46] : memref<32000000xf32, #tpu.memory_space<hbm>> -> memref<8000xf32, #tpu.memory_space<hbm>>
    tpu.wait_dma2 semaphore(%arg13 : memref<!tpu.dma_semaphore, #tpu.memory_space<semaphore_mem>>) src(%dma_wait3A_47 : memref<8000xf32, #tpu.memory_space<hbm>>) dst(%arg5 : memref<8000xf32, #tpu.memory_space<vmem>>)
    %scan3A_48 = arith.constant 0 : i32
    %scan3A_49 = arith.constant 0 : i32
    %scan3A_50 = arith.constant 25 : i32
    %scan3A_51 = arith.addi %scan3A_49, %scan3A_50 : i32
    %scan3A_52 = arith.constant 1 : i32
    %scan3A_53 = scf.for %scan3A_69 = %scan3A_49 to %scan3A_51 step %scan3A_52 iter_args(%scan3A_70 = %scan3A_48) -> (i32)  : i32 {
      %mul3A_71 = arith.constant 320 : i32
      %mul3A_72 = arith.muli %scan3A_69, %mul3A_71 : i32
      %multiple_of3A = tpu.assume_multiple %mul3A_72, 16 : i32
      %get3A = arith.index_cast %multiple_of3A : i32 to index
      %get3A_73 = tpu.vector_load %arg5[%get3A] {strides = array<i32>} : memref<8000xf32, #tpu.memory_space<vmem>>, vector<16xf32>,
      %add3A_74 = arith.constant 16 : i32
      %add3A_75 = arith.addi %multiple_of3A, %add3A_74 : i32
      %get3A_76 = arith.index_cast %add3A_75 : i32 to index
      %get3A_77 = tpu.vector_load %arg5[%get3A_76] {strides = array<i32>} : memref<8000xf32, #tpu.memory_space<vmem>>, vector<16xf32>,
      %max3A = arith.maximumf %get3A_73, %get3A_77 : vector<16xf32>
      %add3A_78 = arith.constant 32 : i32
      %add3A_79 = arith.addi %multiple_of3A, %add3A_78 : i32
      %get3A_80 = arith.index_cast %add3A_79 : i32 to index
      %get3A_81 = tpu.vector_load %arg5[%get3A_80] {strides = array<i32>} : memref<8000xf32, #tpu.memory_space<vmem>>, vector<16xf32>,
      %max3A_82 = arith.maximumf %max3A, %get3A_81 : vector<16xf32>
      %add3A_83 = arith.constant 48 : i32
      %add3A_84 = arith.addi %multiple_of3A, %add3A_83 : i32
      %get3A_85 = arith.index_cast %add3A_84 : i32 to index
      %get3A_86 = tpu.vector_load %arg5[%get3A_85] {strides = array<i32>} : memref<8000xf32, #tpu.memory_space<vmem>>, vector<16xf32>,
      %max3A_87 = arith.maximumf %max3A_82, %get3A_86 : vector<16xf32>
      %add3A_88 = arith.constant 64 : i32
      %add3A_89 = arith.addi %multiple_of3A, %add3A_88 : i32
      %get3A_90 = arith.index_cast %add3A_89 : i32 to index
      %get3A_91 = tpu.vector_load %arg5[%get3A_90] {strides = array<i32>} : memref<8000xf32, #tpu.memory_space<vmem>>, vector<16xf32>,
      %max3A_92 = arith.maximumf %max3A_87, %get3A_91 : vector<16xf32>
      %add3A_93 = arith.constant 80 : i32
      %add3A_94 = arith.addi %multiple_of3A, %add3A_93 : i32
      %get3A_95 = arith.index_cast %add3A_94 : i32 to index
      %get3A_96 = tpu.vector_load %arg5[%get3A_95] {strides = array<i32>} : memref<8000xf32, #tpu.memory_space<vmem>>, vector<16xf32>,
      %max3A_97 = arith.maximumf %max3A_92, %get3A_96 : vector<16xf32>
      %add3A_98 = arith.constant 96 : i32
      %add3A_99 = arith.addi %multiple_of3A, %add3A_98 : i32
      %get3A_100 = arith.index_cast %add3A_99 : i32 to index
      %get3A_101 = tpu.vector_load %arg5[%get3A_100] {strides = array<i32>} : memref<8000xf32, #tpu.memory_space<vmem>>, vector<16xf32>,
      %max3A_102 = arith.maximumf %max3A_97, %get3A_101 : vector<16xf32>
      %add3A_103 = arith.constant 112 : i32
      %add3A_104 = arith.addi %multiple_of3A, %add3A_103 : i32
      %get3A_105 = arith.index_cast %add3A_104 : i32 to index
      %get3A_106 = tpu.vector_load %arg5[%get3A_105] {strides = array<i32>} : memref<8000xf32, #tpu.memory_space<vmem>>, vector<16xf32>,
      %max3A_107 = arith.maximumf %max3A_102, %get3A_106 : vector<16xf32>
      %add3A_108 = arith.constant 128 : i32
      %add3A_109 = arith.addi %multiple_of3A, %add3A_108 : i32
      %get3A_110 = arith.index_cast %add3A_109 : i32 to index
      %get3A_111 = tpu.vector_load %arg5[%get3A_110] {strides = array<i32>} : memref<8000xf32, #tpu.memory_space<vmem>>, vector<16xf32>,
      %max3A_112 = arith.maximumf %max3A_107, %get3A_111 : vector<16xf32>
      %add3A_113 = arith.constant 144 : i32
      %add3A_114 = arith.addi %multiple_of3A, %add3A_113 : i32
      %get3A_115 = arith.index_cast %add3A_114 : i32 to index
      %get3A_116 = tpu.vector_load %arg5[%get3A_115] {strides = array<i32>} : memref<8000xf32, #tpu.memory_space<vmem>>, vector<16xf32>,
      %max3A_117 = arith.maximumf %max3A_112, %get3A_116 : vector<16xf32>
      %add3A_118 = arith.constant 160 : i32
      %add3A_119 = arith.addi %multiple_of3A, %add3A_118 : i32
      %get3A_120 = arith.index_cast %add3A_119 : i32 to index
      %get3A_121 = tpu.vector_load %arg5[%get3A_120] {strides = array<i32>} : memref<8000xf32, #tpu.memory_space<vmem>>, vector<16xf32>,
      %max3A_122 = arith.maximumf %max3A_117, %get3A_121 : vector<16xf32>
      %add3A_123 = arith.constant 176 : i32
      %add3A_124 = arith.addi %multiple_of3A, %add3A_123 : i32
      %get3A_125 = arith.index_cast %add3A_124 : i32 to index
      %get3A_126 = tpu.vector_load %arg5[%get3A_125] {strides = array<i32>} : memref<8000xf32, #tpu.memory_space<vmem>>, vector<16xf32>,
      %max3A_127 = arith.maximumf %max3A_122, %get3A_126 : vector<16xf32>
      %add3A_128 = arith.constant 192 : i32
      %add3A_129 = arith.addi %multiple_of3A, %add3A_128 : i32
      %get3A_130 = arith.index_cast %add3A_129 : i32 to index
      %get3A_131 = tpu.vector_load %arg5[%get3A_130] {strides = array<i32>} : memref<8000xf32, #tpu.memory_space<vmem>>, vector<16xf32>,
      %max3A_132 = arith.maximumf %max3A_127, %get3A_131 : vector<16xf32>
      %add3A_133 = arith.constant 208 : i32
      %add3A_134 = arith.addi %multiple_of3A, %add3A_133 : i32
      %get3A_135 = arith.index_cast %add3A_134 : i32 to index
      %get3A_136 = tpu.vector_load %arg5[%get3A_135] {strides = array<i32>} : memref<8000xf32, #tpu.memory_space<vmem>>, vector<16xf32>,
      %max3A_137 = arith.maximumf %max3A_132, %get3A_136 : vector<16xf32>
      %add3A_138 = arith.constant 224 : i32
      %add3A_139 = arith.addi %multiple_of3A, %add3A_138 : i32
      %get3A_140 = arith.index_cast %add3A_139 : i32 to index
      %get3A_141 = tpu.vector_load %arg5[%get3A_140] {strides = array<i32>} : memref<8000xf32, #tpu.memory_space<vmem>>, vector<16xf32>,
      %max3A_142 = arith.maximumf %max3A_137, %get3A_141 : vector<16xf32>
      %add3A_143 = arith.constant 240 : i32
      %add3A_144 = arith.addi %multiple_of3A, %add3A_143 : i32
      %get3A_145 = arith.index_cast %add3A_144 : i32 to index
      %get3A_146 = tpu.vector_load %arg5[%get3A_145] {strides = array<i32>} : memref<8000xf32, #tpu.memory_space<vmem>>, vector<16xf32>,
      %max3A_147 = arith.maximumf %max3A_142, %get3A_146 : vector<16xf32>
      %add3A_148 = arith.constant 256 : i32
      %add3A_149 = arith.addi %multiple_of3A, %add3A_148 : i32
      %get3A_150 = arith.index_cast %add3A_149 : i32 to index
      %get3A_151 = tpu.vector_load %arg5[%get3A_150] {strides = array<i32>} : memref<8000xf32, #tpu.memory_space<vmem>>, vector<16xf32>,
      %max3A_152 = arith.maximumf %max3A_147, %get3A_151 : vector<16xf32>
      %add3A_153 = arith.constant 272 : i32
      %add3A_154 = arith.addi %multiple_of3A, %add3A_153 : i32
      %get3A_155 = arith.index_cast %add3A_154 : i32 to index
      %get3A_156 = tpu.vector_load %arg5[%get3A_155] {strides = array<i32>} : memref<8000xf32, #tpu.memory_space<vmem>>, vector<16xf32>,
      %max3A_157 = arith.maximumf %max3A_152, %get3A_156 : vector<16xf32>
      %add3A_158 = arith.constant 288 : i32
      %add3A_159 = arith.addi %multiple_of3A, %add3A_158 : i32
      %get3A_160 = arith.index_cast %add3A_159 : i32 to index
      %get3A_161 = tpu.vector_load %arg5[%get3A_160] {strides = array<i32>} : memref<8000xf32, #tpu.memory_space<vmem>>, vector<16xf32>,
      %max3A_162 = arith.maximumf %max3A_157, %get3A_161 : vector<16xf32>
      %add3A_163 = arith.constant 304 : i32
      %add3A_164 = arith.addi %multiple_of3A, %add3A_163 : i32
      %get3A_165 = arith.index_cast %add3A_164 : i32 to index
      %get3A_166 = tpu.vector_load %arg5[%get3A_165] {strides = array<i32>} : memref<8000xf32, #tpu.memory_space<vmem>>, vector<16xf32>,
      %max3A_167 = arith.maximumf %max3A_162, %get3A_166 : vector<16xf32>
      %add3A_168 = arith.constant 3100 : i32
      %add3A_169 = arith.addi %add3A_168, %scan3A_69 : i32
      %mul3A_170 = arith.constant 16 : i32
      %mul3A_171 = arith.muli %add3A_169, %mul3A_170 : i32
      %multiple_of3A_172 = tpu.assume_multiple %mul3A_171, 16 : i32
      %swap3A_173 = arith.index_cast %multiple_of3A_172 : i32 to index
      %swap3A_174 = tpu.vector_load %arg7[%swap3A_173] {strides = array<i32>} : memref<50000xf32, #tpu.memory_space<vmem>>, vector<16xf32>,
      tpu.vector_store %arg7[%swap3A_173], %max3A_167 {strides = array<i32>} : memref<50000xf32, #tpu.memory_space<vmem>>, vector<16xf32>,
      %reduce_max3A = arith.constant true
      %reduce_max3A_175 = vector.broadcast %reduce_max3A : i1 to vector<16xi1>
      %reduce_max3A_176 = tpu.scan <max>, %max3A_167 masked %reduce_max3A_175 : vector<16xf32>, vector<16xi1> -> vector<16xf32>
      %reduce_max3A_177 = vector.extract %reduce_max3A_176[15] : f32 from vector<16xf32>
      %jit3A = arith.constant 16 : i32
      %div3A = arith.divsi %add3A_169, %jit3A : i32
      %sign3A = arith.constant 0 : i32
      %sign3A_178 = arith.cmpi sgt, %add3A_169, %sign3A : i32
      %sign3A_179 = arith.extui %sign3A_178 : i1 to i32
      %sign3A_180 = arith.constant 0 : i32
      %sign3A_181 = arith.cmpi slt, %add3A_169, %sign3A_180 : i32
      %sign3A_182 = arith.extui %sign3A_181 : i1 to i32
      %sign3A_183 = arith.subi %sign3A_179, %sign3A_182 : i32
      %sign3A_184 = arith.constant 0 : i32
      %sign3A_185 = arith.cmpi sgt, %jit3A, %sign3A_184 : i32
      %sign3A_186 = arith.extui %sign3A_185 : i1 to i32
      %sign3A_187 = arith.constant 0 : i32
      %sign3A_188 = arith.cmpi slt, %jit3A, %sign3A_187 : i32
      %sign3A_189 = arith.extui %sign3A_188 : i1 to i32
      %sign3A_190 = arith.subi %sign3A_186, %sign3A_189 : i32
      %ne3A = arith.cmpi ne, %sign3A_183, %sign3A_190 : i32
      %rem3A = arith.remsi %add3A_169, %jit3A : i32
      %ne3A_191 = arith.constant 0 : i32
      %ne3A_192 = arith.cmpi ne, %rem3A, %ne3A_191 : i32
      %and3A = arith.andi %ne3A, %ne3A_192 : i1
      %sub3A = arith.constant 1 : i32
      %sub3A_193 = arith.subi %div3A, %sub3A : i32
      %select_n3A = arith.select %and3A, %sub3A_193, %div3A : i32
      %mul3A_194 = arith.constant 16 : i32
      %mul3A_195 = arith.muli %select_n3A, %mul3A_194 : i32
      %multiple_of3A_196 = tpu.assume_multiple %mul3A_195, 16 : i32
      %jit3A_197 = arith.constant 16 : i32
      %eq3A = arith.constant 0 : i32
      %eq3A_198 = arith.cmpi eq, %jit3A_197, %eq3A : i32
      %jit3A_199 = arith.constant 1 : i32
      %select_n3A_200 = arith.select %eq3A_198, %jit3A_199, %jit3A_197 : i32
      %rem3A_201 = arith.remsi %add3A_169, %select_n3A_200 : i32
      %ne3A_202 = arith.constant 0 : i32
      %ne3A_203 = arith.cmpi ne, %rem3A_201, %ne3A_202 : i32
      %lt3A = arith.constant 0 : i32
      %lt3A_204 = arith.cmpi slt, %rem3A_201, %lt3A : i32
      %lt3A_205 = arith.constant 0 : i32
      %lt3A_206 = arith.cmpi slt, %select_n3A_200, %lt3A_205 : i32
      %ne3A_207 = arith.xori %lt3A_204, %lt3A_206 : i1
      %and3A_208 = arith.andi %ne3A_207, %ne3A_203 : i1
      %add3A_209 = arith.addi %rem3A_201, %select_n3A_200 : i32
      %select_n3A_210 = arith.select %and3A_208, %add3A_209, %rem3A_201 : i32
      %get3A_211 = arith.index_cast %multiple_of3A_196 : i32 to index
      %get3A_212 = tpu.vector_load %arg8[%get3A_211] {strides = array<i32>} : memref<3328xf32, #tpu.memory_space<vmem>>, vector<16xf32>,
      %eq3A_213 = vector.broadcast %select_n3A_210 : i32 to vector<16xi32>
      %eq3A_214 = arith.cmpi eq, %iota3A, %eq3A_213 : vector<16xi32>
      %broadcast_in_dim3A_215 = vector.broadcast %reduce_max3A_177 : f32 to vector<16xf32>
      %select_n3A_216 = arith.select %eq3A_214, %broadcast_in_dim3A_215, %get3A_212 : vector<16xi1>, vector<16xf32>
      %swap3A_217 = arith.index_cast %multiple_of3A_196 : i32 to index
      %swap3A_218 = tpu.vector_load %arg8[%swap3A_217] {strides = array<i32>} : memref<3328xf32, #tpu.memory_space<vmem>>, vector<16xf32>,
      tpu.vector_store %arg8[%swap3A_217], %select_n3A_216 {strides = array<i32>} : memref<3328xf32, #tpu.memory_space<vmem>>, vector<16xf32>,
      %scan3A_219 = arith.constant 0 : i32
      scf.yield %scan3A_219 : i32
    }
    %scan3A_54 = arith.constant 25 : i32
    %scan3A_55 = arith.constant 0 : i32
    %scan3A_56 = arith.constant 0 : i32
    %scan3A_57 = arith.constant 196 : i32
    %scan3A_58 = arith.addi %scan3A_56, %scan3A_57 : i32
    %scan3A_59 = arith.constant 1 : i32
    %scan3A_60 = scf.for %scan3A_69 = %scan3A_56 to %scan3A_58 step %scan3A_59 iter_args(%scan3A_70 = %scan3A_55) -> (i32)  : i32 {
      %mul3A_71 = arith.constant 16 : i32
      %mul3A_72 = arith.muli %scan3A_69, %mul3A_71 : i32
      %multiple_of3A = tpu.assume_multiple %mul3A_72, 16 : i32
      %get3A = arith.index_cast %multiple_of3A : i32 to index
      %get3A_73 = tpu.vector_load %arg8[%get3A] {strides = array<i32>} : memref<3328xf32, #tpu.memory_space<vmem>>, vector<16xf32>,
      %reduce_max3A = arith.constant true
      %reduce_max3A_74 = vector.broadcast %reduce_max3A : i1 to vector<16xi1>
      %reduce_max3A_75 = tpu.scan <max>, %get3A_73 masked %reduce_max3A_74 : vector<16xf32>, vector<16xi1> -> vector<16xf32>
      %reduce_max3A_76 = vector.extract %reduce_max3A_75[15] : f32 from vector<16xf32>
      %jit3A = arith.constant 16 : i32
      %div3A = arith.divsi %scan3A_69, %jit3A : i32
      %sign3A = arith.constant 0 : i32
      %sign3A_77 = arith.cmpi sgt, %scan3A_69, %sign3A : i32
      %sign3A_78 = arith.extui %sign3A_77 : i1 to i32
      %sign3A_79 = arith.constant 0 : i32
      %sign3A_80 = arith.cmpi slt, %scan3A_69, %sign3A_79 : i32
      %sign3A_81 = arith.extui %sign3A_80 : i1 to i32
      %sign3A_82 = arith.subi %sign3A_78, %sign3A_81 : i32
      %sign3A_83 = arith.constant 0 : i32
      %sign3A_84 = arith.cmpi sgt, %jit3A, %sign3A_83 : i32
      %sign3A_85 = arith.extui %sign3A_84 : i1 to i32
      %sign3A_86 = arith.constant 0 : i32
      %sign3A_87 = arith.cmpi slt, %jit3A, %sign3A_86 : i32
      %sign3A_88 = arith.extui %sign3A_87 : i1 to i32
      %sign3A_89 = arith.subi %sign3A_85, %sign3A_88 : i32
      %ne3A = arith.cmpi ne, %sign3A_82, %sign3A_89 : i32
      %rem3A = arith.remsi %scan3A_69, %jit3A : i32
      %ne3A_90 = arith.constant 0 : i32
      %ne3A_91 = arith.cmpi ne, %rem3A, %ne3A_90 : i32
      %and3A = arith.andi %ne3A, %ne3A_91 : i1
      %sub3A = arith.constant 1 : i32
      %sub3A_92 = arith.subi %div3A, %sub3A : i32
      %select_n3A = arith.select %and3A, %sub3A_92, %div3A : i32
      %mul3A_93 = arith.constant 16 : i32
      %mul3A_94 = arith.muli %select_n3A, %mul3A_93 : i32
      %multiple_of3A_95 = tpu.assume_multiple %mul3A_94, 16 : i32
      %jit3A_96 = arith.constant 16 : i32
      %eq3A = arith.constant 0 : i32
      %eq3A_97 = arith.cmpi eq, %jit3A_96, %eq3A : i32
      %jit3A_98 = arith.constant 1 : i32
      %select_n3A_99 = arith.select %eq3A_97, %jit3A_98, %jit3A_96 : i32
      %rem3A_100 = arith.remsi %scan3A_69, %select_n3A_99 : i32
      %ne3A_101 = arith.constant 0 : i32
      %ne3A_102 = arith.cmpi ne, %rem3A_100, %ne3A_101 : i32
      %lt3A = arith.constant 0 : i32
      %lt3A_103 = arith.cmpi slt, %rem3A_100, %lt3A : i32
      %lt3A_104 = arith.constant 0 : i32
      %lt3A_105 = arith.cmpi slt, %select_n3A_99, %lt3A_104 : i32
      %ne3A_106 = arith.xori %lt3A_103, %lt3A_105 : i1
      %and3A_107 = arith.andi %ne3A_106, %ne3A_102 : i1
      %add3A_108 = arith.addi %rem3A_100, %select_n3A_99 : i32
      %select_n3A_109 = arith.select %and3A_107, %add3A_108, %rem3A_100 : i32
      %get3A_110 = arith.index_cast %multiple_of3A_95 : i32 to index
      %get3A_111 = tpu.vector_load %arg9[%get3A_110] {strides = array<i32>} : memref<208xf32, #tpu.memory_space<vmem>>, vector<16xf32>,
      %eq3A_112 = vector.broadcast %select_n3A_109 : i32 to vector<16xi32>
      %eq3A_113 = arith.cmpi eq, %iota3A, %eq3A_112 : vector<16xi32>
      %broadcast_in_dim3A_114 = vector.broadcast %reduce_max3A_76 : f32 to vector<16xf32>
      %select_n3A_115 = arith.select %eq3A_113, %broadcast_in_dim3A_114, %get3A_111 : vector<16xi1>, vector<16xf32>
      %swap3A_116 = arith.index_cast %multiple_of3A_95 : i32 to index
      %swap3A_117 = tpu.vector_load %arg9[%swap3A_116] {strides = array<i32>} : memref<208xf32, #tpu.memory_space<vmem>>, vector<16xf32>,
      tpu.vector_store %arg9[%swap3A_116], %select_n3A_115 {strides = array<i32>} : memref<208xf32, #tpu.memory_space<vmem>>, vector<16xf32>,
      %scan3A_118 = arith.constant 0 : i32
      scf.yield %scan3A_118 : i32
    }
    %scan3A_61 = arith.constant 196 : i32
    %scan3A_62 = arith.constant 0 : i32
    %scan3A_63 = arith.constant 0 : i32
    %scan3A_64 = arith.constant 64 : i32
    %scan3A_65 = arith.addi %scan3A_63, %scan3A_64 : i32
    %scan3A_66 = arith.constant 1 : i32
    %scan3A_67 = scf.for %scan3A_69 = %scan3A_63 to %scan3A_65 step %scan3A_66 iter_args(%scan3A_70 = %scan3A_62) -> (i32)  : i32 {
      %get3A = arith.constant 0 : index
      %get3A_71 = tpu.vector_load %arg9[%get3A] {strides = array<i32>} : memref<208xf32, #tpu.memory_space<vmem>>, vector<16xf32>,
      %get3A_72 = arith.constant 16 : index
      %get3A_73 = tpu.vector_load %arg9[%get3A_72] {strides = array<i32>} : memref<208xf32, #tpu.memory_space<vmem>>, vector<16xf32>,
      %max3A = arith.maximumf %get3A_71, %get3A_73 : vector<16xf32>
      %get3A_74 = arith.constant 32 : index
      %get3A_75 = tpu.vector_load %arg9[%get3A_74] {strides = array<i32>} : memref<208xf32, #tpu.memory_space<vmem>>, vector<16xf32>,
      %max3A_76 = arith.maximumf %max3A, %get3A_75 : vector<16xf32>
      %get3A_77 = arith.constant 48 : index
      %get3A_78 = tpu.vector_load %arg9[%get3A_77] {strides = array<i32>} : memref<208xf32, #tpu.memory_space<vmem>>, vector<16xf32>,
      %max3A_79 = arith.maximumf %max3A_76, %get3A_78 : vector<16xf32>
      %get3A_80 = arith.constant 64 : index
      %get3A_81 = tpu.vector_load %arg9[%get3A_80] {strides = array<i32>} : memref<208xf32, #tpu.memory_space<vmem>>, vector<16xf32>,
      %max3A_82 = arith.maximumf %max3A_79, %get3A_81 : vector<16xf32>
      %get3A_83 = arith.constant 80 : index
      %get3A_84 = tpu.vector_load %arg9[%get3A_83] {strides = array<i32>} : memref<208xf32, #tpu.memory_space<vmem>>, vector<16xf32>,
      %max3A_85 = arith.maximumf %max3A_82, %get3A_84 : vector<16xf32>
      %get3A_86 = arith.constant 96 : index
      %get3A_87 = tpu.vector_load %arg9[%get3A_86] {strides = array<i32>} : memref<208xf32, #tpu.memory_space<vmem>>, vector<16xf32>,
      %max3A_88 = arith.maximumf %max3A_85, %get3A_87 : vector<16xf32>
      %get3A_89 = arith.constant 112 : index
      %get3A_90 = tpu.vector_load %arg9[%get3A_89] {strides = array<i32>} : memref<208xf32, #tpu.memory_space<vmem>>, vector<16xf32>,
      %max3A_91 = arith.maximumf %max3A_88, %get3A_90 : vector<16xf32>
      %get3A_92 = arith.constant 128 : index
      %get3A_93 = tpu.vector_load %arg9[%get3A_92] {strides = array<i32>} : memref<208xf32, #tpu.memory_space<vmem>>, vector<16xf32>,
      %max3A_94 = arith.maximumf %max3A_91, %get3A_93 : vector<16xf32>
      %get3A_95 = arith.constant 144 : index
      %get3A_96 = tpu.vector_load %arg9[%get3A_95] {strides = array<i32>} : memref<208xf32, #tpu.memory_space<vmem>>, vector<16xf32>,
      %max3A_97 = arith.maximumf %max3A_94, %get3A_96 : vector<16xf32>
      %get3A_98 = arith.constant 160 : index
      %get3A_99 = tpu.vector_load %arg9[%get3A_98] {strides = array<i32>} : memref<208xf32, #tpu.memory_space<vmem>>, vector<16xf32>,
      %max3A_100 = arith.maximumf %max3A_97, %get3A_99 : vector<16xf32>
      %get3A_101 = arith.constant 176 : index
      %get3A_102 = tpu.vector_load %arg9[%get3A_101] {strides = array<i32>} : memref<208xf32, #tpu.memory_space<vmem>>, vector<16xf32>,
      %max3A_103 = arith.maximumf %max3A_100, %get3A_102 : vector<16xf32>
      %get3A_104 = arith.constant 192 : index
      %get3A_105 = tpu.vector_load %arg9[%get3A_104] {strides = array<i32>} : memref<208xf32, #tpu.memory_space<vmem>>, vector<16xf32>,
      %max3A_106 = arith.maximumf %max3A_103, %get3A_105 : vector<16xf32>
      %reduce_max3A = arith.constant true
      %reduce_max3A_107 = vector.broadcast %reduce_max3A : i1 to vector<16xi1>
      %reduce_max3A_108 = tpu.scan <max>, %max3A_106 masked %reduce_max3A_107 : vector<16xf32>, vector<16xi1> -> vector<16xf32>
      %reduce_max3A_109 = vector.extract %reduce_max3A_108[15] : f32 from vector<16xf32>
      %broadcast_in_dim3A_110 = arith.constant 2147483647 : i32
      %broadcast_in_dim3A_111 = vector.broadcast %broadcast_in_dim3A_110 : i32 to vector<16xi32>
      %get3A_112 = arith.constant 0 : index
      %get3A_113 = tpu.vector_load %arg9[%get3A_112] {strides = array<i32>} : memref<208xf32, #tpu.memory_space<vmem>>, vector<16xf32>,
      %eq3A = vector.broadcast %reduce_max3A_109 : f32 to vector<16xf32>
      %eq3A_114 = arith.cmpf oeq, %get3A_113, %eq3A : vector<16xf32>
      %add3A_115 = arith.constant 0 : i32
      %add3A_116 = vector.broadcast %add3A_115 : i32 to vector<16xi32>
      %add3A_117 = arith.addi %iota3A, %add3A_116 : vector<16xi32>
      %jit3A = arith.constant 2147483647 : i32
      %broadcast_in_dim3A_118 = vector.broadcast %jit3A : i32 to vector<16xi32>
      %select_n3A = arith.select %eq3A_114, %add3A_117, %broadcast_in_dim3A_118 : vector<16xi1>, vector<16xi32>
      %min3A = arith.minsi %broadcast_in_dim3A_111, %select_n3A : vector<16xi32>
      %get3A_119 = arith.constant 16 : index
      %get3A_120 = tpu.vector_load %arg9[%get3A_119] {strides = array<i32>} : memref<208xf32, #tpu.memory_space<vmem>>, vector<16xf32>,
      %eq3A_121 = vector.broadcast %reduce_max3A_109 : f32 to vector<16xf32>
      %eq3A_122 = arith.cmpf oeq, %get3A_120, %eq3A_121 : vector<16xf32>
      %add3A_123 = arith.constant 16 : i32
      %add3A_124 = vector.broadcast %add3A_123 : i32 to vector<16xi32>
      %add3A_125 = arith.addi %iota3A, %add3A_124 : vector<16xi32>
      %jit3A_126 = arith.constant 2147483647 : i32
      %broadcast_in_dim3A_127 = vector.broadcast %jit3A_126 : i32 to vector<16xi32>
      %select_n3A_128 = arith.select %eq3A_122, %add3A_125, %broadcast_in_dim3A_127 : vector<16xi1>, vector<16xi32>
      %min3A_129 = arith.minsi %min3A, %select_n3A_128 : vector<16xi32>
      %get3A_130 = arith.constant 32 : index
      %get3A_131 = tpu.vector_load %arg9[%get3A_130] {strides = array<i32>} : memref<208xf32, #tpu.memory_space<vmem>>, vector<16xf32>,
      %eq3A_132 = vector.broadcast %reduce_max3A_109 : f32 to vector<16xf32>
      %eq3A_133 = arith.cmpf oeq, %get3A_131, %eq3A_132 : vector<16xf32>
      %add3A_134 = arith.constant 32 : i32
      %add3A_135 = vector.broadcast %add3A_134 : i32 to vector<16xi32>
      %add3A_136 = arith.addi %iota3A, %add3A_135 : vector<16xi32>
      %jit3A_137 = arith.constant 2147483647 : i32
      %broadcast_in_dim3A_138 = vector.broadcast %jit3A_137 : i32 to vector<16xi32>
      %select_n3A_139 = arith.select %eq3A_133, %add3A_136, %broadcast_in_dim3A_138 : vector<16xi1>, vector<16xi32>
      %min3A_140 = arith.minsi %min3A_129, %select_n3A_139 : vector<16xi32>
      %get3A_141 = arith.constant 48 : index
      %get3A_142 = tpu.vector_load %arg9[%get3A_141] {strides = array<i32>} : memref<208xf32, #tpu.memory_space<vmem>>, vector<16xf32>,
      %eq3A_143 = vector.broadcast %reduce_max3A_109 : f32 to vector<16xf32>
      %eq3A_144 = arith.cmpf oeq, %get3A_142, %eq3A_143 : vector<16xf32>
      %add3A_145 = arith.constant 48 : i32
      %add3A_146 = vector.broadcast %add3A_145 : i32 to vector<16xi32>
      %add3A_147 = arith.addi %iota3A, %add3A_146 : vector<16xi32>
      %jit3A_148 = arith.constant 2147483647 : i32
      %broadcast_in_dim3A_149 = vector.broadcast %jit3A_148 : i32 to vector<16xi32>
      %select_n3A_150 = arith.select %eq3A_144, %add3A_147, %broadcast_in_dim3A_149 : vector<16xi1>, vector<16xi32>
      %min3A_151 = arith.minsi %min3A_140, %select_n3A_150 : vector<16xi32>
      %get3A_152 = arith.constant 64 : index
      %get3A_153 = tpu.vector_load %arg9[%get3A_152] {strides = array<i32>} : memref<208xf32, #tpu.memory_space<vmem>>, vector<16xf32>,
      %eq3A_154 = vector.broadcast %reduce_max3A_109 : f32 to vector<16xf32>
      %eq3A_155 = arith.cmpf oeq, %get3A_153, %eq3A_154 : vector<16xf32>
      %add3A_156 = arith.constant 64 : i32
      %add3A_157 = vector.broadcast %add3A_156 : i32 to vector<16xi32>
      %add3A_158 = arith.addi %iota3A, %add3A_157 : vector<16xi32>
      %jit3A_159 = arith.constant 2147483647 : i32
      %broadcast_in_dim3A_160 = vector.broadcast %jit3A_159 : i32 to vector<16xi32>
      %select_n3A_161 = arith.select %eq3A_155, %add3A_158, %broadcast_in_dim3A_160 : vector<16xi1>, vector<16xi32>
      %min3A_162 = arith.minsi %min3A_151, %select_n3A_161 : vector<16xi32>
      %get3A_163 = arith.constant 80 : index
      %get3A_164 = tpu.vector_load %arg9[%get3A_163] {strides = array<i32>} : memref<208xf32, #tpu.memory_space<vmem>>, vector<16xf32>,
      %eq3A_165 = vector.broadcast %reduce_max3A_109 : f32 to vector<16xf32>
      %eq3A_166 = arith.cmpf oeq, %get3A_164, %eq3A_165 : vector<16xf32>
      %add3A_167 = arith.constant 80 : i32
      %add3A_168 = vector.broadcast %add3A_167 : i32 to vector<16xi32>
      %add3A_169 = arith.addi %iota3A, %add3A_168 : vector<16xi32>
      %jit3A_170 = arith.constant 2147483647 : i32
      %broadcast_in_dim3A_171 = vector.broadcast %jit3A_170 : i32 to vector<16xi32>
      %select_n3A_172 = arith.select %eq3A_166, %add3A_169, %broadcast_in_dim3A_171 : vector<16xi1>, vector<16xi32>
      %min3A_173 = arith.minsi %min3A_162, %select_n3A_172 : vector<16xi32>
      %get3A_174 = arith.constant 96 : index
      %get3A_175 = tpu.vector_load %arg9[%get3A_174] {strides = array<i32>} : memref<208xf32, #tpu.memory_space<vmem>>, vector<16xf32>,
      %eq3A_176 = vector.broadcast %reduce_max3A_109 : f32 to vector<16xf32>
      %eq3A_177 = arith.cmpf oeq, %get3A_175, %eq3A_176 : vector<16xf32>
      %add3A_178 = arith.constant 96 : i32
      %add3A_179 = vector.broadcast %add3A_178 : i32 to vector<16xi32>
      %add3A_180 = arith.addi %iota3A, %add3A_179 : vector<16xi32>
      %jit3A_181 = arith.constant 2147483647 : i32
      %broadcast_in_dim3A_182 = vector.broadcast %jit3A_181 : i32 to vector<16xi32>
      %select_n3A_183 = arith.select %eq3A_177, %add3A_180, %broadcast_in_dim3A_182 : vector<16xi1>, vector<16xi32>
      %min3A_184 = arith.minsi %min3A_173, %select_n3A_183 : vector<16xi32>
      %get3A_185 = arith.constant 112 : index
      %get3A_186 = tpu.vector_load %arg9[%get3A_185] {strides = array<i32>} : memref<208xf32, #tpu.memory_space<vmem>>, vector<16xf32>,
      %eq3A_187 = vector.broadcast %reduce_max3A_109 : f32 to vector<16xf32>
      %eq3A_188 = arith.cmpf oeq, %get3A_186, %eq3A_187 : vector<16xf32>
      %add3A_189 = arith.constant 112 : i32
      %add3A_190 = vector.broadcast %add3A_189 : i32 to vector<16xi32>
      %add3A_191 = arith.addi %iota3A, %add3A_190 : vector<16xi32>
      %jit3A_192 = arith.constant 2147483647 : i32
      %broadcast_in_dim3A_193 = vector.broadcast %jit3A_192 : i32 to vector<16xi32>
      %select_n3A_194 = arith.select %eq3A_188, %add3A_191, %broadcast_in_dim3A_193 : vector<16xi1>, vector<16xi32>
      %min3A_195 = arith.minsi %min3A_184, %select_n3A_194 : vector<16xi32>
      %get3A_196 = arith.constant 128 : index
      %get3A_197 = tpu.vector_load %arg9[%get3A_196] {strides = array<i32>} : memref<208xf32, #tpu.memory_space<vmem>>, vector<16xf32>,
      %eq3A_198 = vector.broadcast %reduce_max3A_109 : f32 to vector<16xf32>
      %eq3A_199 = arith.cmpf oeq, %get3A_197, %eq3A_198 : vector<16xf32>
      %add3A_200 = arith.constant 128 : i32
      %add3A_201 = vector.broadcast %add3A_200 : i32 to vector<16xi32>
      %add3A_202 = arith.addi %iota3A, %add3A_201 : vector<16xi32>
      %jit3A_203 = arith.constant 2147483647 : i32
      %broadcast_in_dim3A_204 = vector.broadcast %jit3A_203 : i32 to vector<16xi32>
      %select_n3A_205 = arith.select %eq3A_199, %add3A_202, %broadcast_in_dim3A_204 : vector<16xi1>, vector<16xi32>
      %min3A_206 = arith.minsi %min3A_195, %select_n3A_205 : vector<16xi32>
      %get3A_207 = arith.constant 144 : index
      %get3A_208 = tpu.vector_load %arg9[%get3A_207] {strides = array<i32>} : memref<208xf32, #tpu.memory_space<vmem>>, vector<16xf32>,
      %eq3A_209 = vector.broadcast %reduce_max3A_109 : f32 to vector<16xf32>
      %eq3A_210 = arith.cmpf oeq, %get3A_208, %eq3A_209 : vector<16xf32>
      %add3A_211 = arith.constant 144 : i32
      %add3A_212 = vector.broadcast %add3A_211 : i32 to vector<16xi32>
      %add3A_213 = arith.addi %iota3A, %add3A_212 : vector<16xi32>
      %jit3A_214 = arith.constant 2147483647 : i32
      %broadcast_in_dim3A_215 = vector.broadcast %jit3A_214 : i32 to vector<16xi32>
      %select_n3A_216 = arith.select %eq3A_210, %add3A_213, %broadcast_in_dim3A_215 : vector<16xi1>, vector<16xi32>
      %min3A_217 = arith.minsi %min3A_206, %select_n3A_216 : vector<16xi32>
      %get3A_218 = arith.constant 160 : index
      %get3A_219 = tpu.vector_load %arg9[%get3A_218] {strides = array<i32>} : memref<208xf32, #tpu.memory_space<vmem>>, vector<16xf32>,
      %eq3A_220 = vector.broadcast %reduce_max3A_109 : f32 to vector<16xf32>
      %eq3A_221 = arith.cmpf oeq, %get3A_219, %eq3A_220 : vector<16xf32>
      %add3A_222 = arith.constant 160 : i32
      %add3A_223 = vector.broadcast %add3A_222 : i32 to vector<16xi32>
      %add3A_224 = arith.addi %iota3A, %add3A_223 : vector<16xi32>
      %jit3A_225 = arith.constant 2147483647 : i32
      %broadcast_in_dim3A_226 = vector.broadcast %jit3A_225 : i32 to vector<16xi32>
      %select_n3A_227 = arith.select %eq3A_221, %add3A_224, %broadcast_in_dim3A_226 : vector<16xi1>, vector<16xi32>
      %min3A_228 = arith.minsi %min3A_217, %select_n3A_227 : vector<16xi32>
      %get3A_229 = arith.constant 176 : index
      %get3A_230 = tpu.vector_load %arg9[%get3A_229] {strides = array<i32>} : memref<208xf32, #tpu.memory_space<vmem>>, vector<16xf32>,
      %eq3A_231 = vector.broadcast %reduce_max3A_109 : f32 to vector<16xf32>
      %eq3A_232 = arith.cmpf oeq, %get3A_230, %eq3A_231 : vector<16xf32>
      %add3A_233 = arith.constant 176 : i32
      %add3A_234 = vector.broadcast %add3A_233 : i32 to vector<16xi32>
      %add3A_235 = arith.addi %iota3A, %add3A_234 : vector<16xi32>
      %jit3A_236 = arith.constant 2147483647 : i32
      %broadcast_in_dim3A_237 = vector.broadcast %jit3A_236 : i32 to vector<16xi32>
      %select_n3A_238 = arith.select %eq3A_232, %add3A_235, %broadcast_in_dim3A_237 : vector<16xi1>, vector<16xi32>
      %min3A_239 = arith.minsi %min3A_228, %select_n3A_238 : vector<16xi32>
      %get3A_240 = arith.constant 192 : index
      %get3A_241 = tpu.vector_load %arg9[%get3A_240] {strides = array<i32>} : memref<208xf32, #tpu.memory_space<vmem>>, vector<16xf32>,
      %eq3A_242 = vector.broadcast %reduce_max3A_109 : f32 to vector<16xf32>
      %eq3A_243 = arith.cmpf oeq, %get3A_241, %eq3A_242 : vector<16xf32>
      %add3A_244 = arith.constant 192 : i32
      %add3A_245 = vector.broadcast %add3A_244 : i32 to vector<16xi32>
      %add3A_246 = arith.addi %iota3A, %add3A_245 : vector<16xi32>
      %jit3A_247 = arith.constant 2147483647 : i32
      %broadcast_in_dim3A_248 = vector.broadcast %jit3A_247 : i32 to vector<16xi32>
      %select_n3A_249 = arith.select %eq3A_243, %add3A_246, %broadcast_in_dim3A_248 : vector<16xi1>, vector<16xi32>
      %min3A_250 = arith.minsi %min3A_239, %select_n3A_249 : vector<16xi32>
      %reduce_min3A = arith.constant true
      %reduce_min3A_251 = vector.broadcast %reduce_min3A : i1 to vector<16xi1>
      %reduce_min3A_252 = arith.constant -2147483648 : i32
      %reduce_min3A_253 = vector.broadcast %reduce_min3A_252 : i32 to vector<16xi32>
      %reduce_min3A_254 = arith.xori %min3A_250, %reduce_min3A_253 : vector<16xi32>
      %reduce_min3A_255 = tpu.scan <min>, %reduce_min3A_254 masked %reduce_min3A_251 : vector<16xi32>, vector<16xi1> -> vector<16xi32>
      %reduce_min3A_256 = arith.xori %reduce_min3A_255, %reduce_min3A_253 : vector<16xi32>
      %reduce_min3A_257 = vector.extract %reduce_min3A_256[15] : i32 from vector<16xi32>
      %mul3A_258 = arith.constant 16 : i32
      %mul3A_259 = arith.muli %reduce_min3A_257, %mul3A_258 : i32
      %multiple_of3A = tpu.assume_multiple %mul3A_259, 16 : i32
      %get3A_260 = arith.index_cast %multiple_of3A : i32 to index
      %get3A_261 = tpu.vector_load %arg8[%get3A_260] {strides = array<i32>} : memref<3328xf32, #tpu.memory_space<vmem>>, vector<16xf32>,
      %reduce_max3A_262 = arith.constant true
      %reduce_max3A_263 = vector.broadcast %reduce_max3A_262 : i1 to vector<16xi1>
      %reduce_max3A_264 = tpu.scan <max>, %get3A_261 masked %reduce_max3A_263 : vector<16xf32>, vector<16xi1> -> vector<16xf32>
      %reduce_max3A_265 = vector.extract %reduce_max3A_264[15] : f32 from vector<16xf32>
      %mul3A_266 = arith.constant 16 : i32
      %mul3A_267 = arith.muli %reduce_min3A_257, %mul3A_266 : i32
      %eq3A_268 = vector.broadcast %reduce_max3A_265 : f32 to vector<16xf32>
      %eq3A_269 = arith.cmpf oeq, %get3A_261, %eq3A_268 : vector<16xf32>
      %jit3A_270 = arith.constant 2147483647 : i32
      %broadcast_in_dim3A_271 = vector.broadcast %jit3A_270 : i32 to vector<16xi32>
      %select_n3A_272 = arith.select %eq3A_269, %iota3A, %broadcast_in_dim3A_271 : vector<16xi1>, vector<16xi32>
      %reduce_min3A_273 = arith.constant true
      %reduce_min3A_274 = vector.broadcast %reduce_min3A_273 : i1 to vector<16xi1>
      %reduce_min3A_275 = arith.constant -2147483648 : i32
      %reduce_min3A_276 = vector.broadcast %reduce_min3A_275 : i32 to vector<16xi32>
      %reduce_min3A_277 = arith.xori %select_n3A_272, %reduce_min3A_276 : vector<16xi32>
      %reduce_min3A_278 = tpu.scan <min>, %reduce_min3A_277 masked %reduce_min3A_274 : vector<16xi32>, vector<16xi1> -> vector<16xi32>
      %reduce_min3A_279 = arith.xori %reduce_min3A_278, %reduce_min3A_276 : vector<16xi32>
      %reduce_min3A_280 = vector.extract %reduce_min3A_279[15] : i32 from vector<16xi32>
      %add3A_281 = arith.addi %mul3A_267, %reduce_min3A_280 : i32
      %mul3A_282 = arith.constant 16 : i32
      %mul3A_283 = arith.muli %add3A_281, %mul3A_282 : i32
      %multiple_of3A_284 = tpu.assume_multiple %mul3A_283, 16 : i32
      %get3A_285 = arith.index_cast %multiple_of3A_284 : i32 to index
      %get3A_286 = tpu.vector_load %arg7[%get3A_285] {strides = array<i32>} : memref<50000xf32, #tpu.memory_space<vmem>>, vector<16xf32>,
      %reduce_max3A_287 = arith.constant true
      %reduce_max3A_288 = vector.broadcast %reduce_max3A_287 : i1 to vector<16xi1>
      %reduce_max3A_289 = tpu.scan <max>, %get3A_286 masked %reduce_max3A_288 : vector<16xf32>, vector<16xi1> -> vector<16xf32>
      %reduce_max3A_290 = vector.extract %reduce_max3A_289[15] : f32 from vector<16xf32>
      %eq3A_291 = vector.broadcast %reduce_max3A_290 : f32 to vector<16xf32>
      %eq3A_292 = arith.cmpf oeq, %get3A_286, %eq3A_291 : vector<16xf32>
      %jit3A_293 = arith.constant 2147483647 : i32
      %broadcast_in_dim3A_294 = vector.broadcast %jit3A_293 : i32 to vector<16xi32>
      %select_n3A_295 = arith.select %eq3A_292, %iota3A, %broadcast_in_dim3A_294 : vector<16xi1>, vector<16xi32>
      %reduce_min3A_296 = arith.constant true
      %reduce_min3A_297 = vector.broadcast %reduce_min3A_296 : i1 to vector<16xi1>
      %reduce_min3A_298 = arith.constant -2147483648 : i32
      %reduce_min3A_299 = vector.broadcast %reduce_min3A_298 : i32 to vector<16xi32>
      %reduce_min3A_300 = arith.xori %select_n3A_295, %reduce_min3A_299 : vector<16xi32>
      %reduce_min3A_301 = tpu.scan <min>, %reduce_min3A_300 masked %reduce_min3A_297 : vector<16xi32>, vector<16xi1> -> vector<16xi32>
      %reduce_min3A_302 = arith.xori %reduce_min3A_301, %reduce_min3A_299 : vector<16xi32>
      %reduce_min3A_303 = vector.extract %reduce_min3A_302[15] : i32 from vector<16xi32>
      %mul3A_304 = arith.constant 320 : i32
      %mul3A_305 = arith.muli %add3A_281, %mul3A_304 : i32
      %add3A_306 = arith.addi %mul3A_2, %mul3A_305 : i32
      "tpu.region"() ({
        %run_scoped3A = tpu.sem_alloc : memref<!tpu.dma_semaphore, #tpu.memory_space<semaphore_mem>>
        %dma_start3A_869 = tpu.memref_slice %arg2[%add3A_306] : memref<32000000xf32, #tpu.memory_space<hbm>> -> memref<320xf32, #tpu.memory_space<hbm>>
        %dma_start3A_870 = tpu.memref_slice %arg2[%add3A_306] : memref<32000000xf32, #tpu.memory_space<hbm>> -> memref<320xf32, #tpu.memory_space<hbm>>
        tpu.enqueue_dma source(%dma_start3A_870 : memref<320xf32, #tpu.memory_space<hbm>>) target(%arg10 : memref<320xf32, #tpu.memory_space<vmem>>) target_semaphore(%run_scoped3A : memref<!tpu.dma_semaphore, #tpu.memory_space<semaphore_mem>>)
        %dma_wait3A_871 = tpu.memref_slice %arg2[%add3A_306] : memref<32000000xf32, #tpu.memory_space<hbm>> -> memref<320xf32, #tpu.memory_space<hbm>>
        %dma_wait3A_872 = tpu.memref_slice %arg2[%add3A_306] : memref<32000000xf32, #tpu.memory_space<hbm>> -> memref<320xf32, #tpu.memory_space<hbm>>
        tpu.wait_dma2 semaphore(%run_scoped3A : memref<!tpu.dma_semaphore, #tpu.memory_space<semaphore_mem>>) src(%dma_wait3A_872 : memref<320xf32, #tpu.memory_space<hbm>>) dst(%arg10 : memref<320xf32, #tpu.memory_space<vmem>>)
        tpu.yield
      }) : () -> ()
      %while3A = arith.constant 0 : i32
      %while3A_307 = arith.constant 0 : i32
      %while3A_308 = arith.subi %scan3A_69, %while3A : i32
      %while3A_309 = arith.addi %while3A, %while3A_308 : i32
      %while3A_310 = arith.constant 1 : i32
      %while3A_311 = arith.divsi %while3A_308, %while3A_310 : i32
      %while3A_312 = arith.muli %while3A_311, %while3A_310 : i32
      %while3A_313 = arith.addi %while3A, %while3A_312 : i32
      %while3A_314 = arith.constant 1 : i32
      %while3A_315 = scf.for %while3A_869 = %while3A to %while3A_313 step %while3A_314 iter_args(%while3A_870 = %while3A_307) -> (i32)  : i32 {
        %jit3A_871 = arith.constant 16 : i32
        %div3A_872 = arith.divsi %while3A_869, %jit3A_871 : i32
        %sign3A_873 = arith.constant 0 : i32
        %sign3A_874 = arith.cmpi sgt, %while3A_869, %sign3A_873 : i32
        %sign3A_875 = arith.extui %sign3A_874 : i1 to i32
        %sign3A_876 = arith.constant 0 : i32
        %sign3A_877 = arith.cmpi slt, %while3A_869, %sign3A_876 : i32
        %sign3A_878 = arith.extui %sign3A_877 : i1 to i32
        %sign3A_879 = arith.subi %sign3A_875, %sign3A_878 : i32
        %sign3A_880 = arith.constant 0 : i32
        %sign3A_881 = arith.cmpi sgt, %jit3A_871, %sign3A_880 : i32
        %sign3A_882 = arith.extui %sign3A_881 : i1 to i32
        %sign3A_883 = arith.constant 0 : i32
        %sign3A_884 = arith.cmpi slt, %jit3A_871, %sign3A_883 : i32
        %sign3A_885 = arith.extui %sign3A_884 : i1 to i32
        %sign3A_886 = arith.subi %sign3A_882, %sign3A_885 : i32
        %ne3A_887 = arith.cmpi ne, %sign3A_879, %sign3A_886 : i32
        %rem3A_888 = arith.remsi %while3A_869, %jit3A_871 : i32
        %ne3A_889 = arith.constant 0 : i32
        %ne3A_890 = arith.cmpi ne, %rem3A_888, %ne3A_889 : i32
        %and3A_891 = arith.andi %ne3A_887, %ne3A_890 : i1
        %sub3A_892 = arith.constant 1 : i32
        %sub3A_893 = arith.subi %div3A_872, %sub3A_892 : i32
        %select_n3A_894 = arith.select %and3A_891, %sub3A_893, %div3A_872 : i32
        %mul3A_895 = arith.constant 16 : i32
        %mul3A_896 = arith.muli %select_n3A_894, %mul3A_895 : i32
        %multiple_of3A_897 = tpu.assume_multiple %mul3A_896, 16 : i32
        %jit3A_898 = arith.constant 16 : i32
        %eq3A_899 = arith.constant 0 : i32
        %eq3A_900 = arith.cmpi eq, %jit3A_898, %eq3A_899 : i32
        %jit3A_901 = arith.constant 1 : i32
        %select_n3A_902 = arith.select %eq3A_900, %jit3A_901, %jit3A_898 : i32
        %rem3A_903 = arith.remsi %while3A_869, %select_n3A_902 : i32
        %ne3A_904 = arith.constant 0 : i32
        %ne3A_905 = arith.cmpi ne, %rem3A_903, %ne3A_904 : i32
        %lt3A_906 = arith.constant 0 : i32
        %lt3A_907 = arith.cmpi slt, %rem3A_903, %lt3A_906 : i32
        %lt3A_908 = arith.constant 0 : i32
        %lt3A_909 = arith.cmpi slt, %select_n3A_902, %lt3A_908 : i32
        %ne3A_910 = arith.xori %lt3A_907, %lt3A_909 : i1
        %and3A_911 = arith.andi %ne3A_910, %ne3A_905 : i1
        %add3A_912 = arith.addi %rem3A_903, %select_n3A_902 : i32
        %select_n3A_913 = arith.select %and3A_911, %add3A_912, %rem3A_903 : i32
        %get3A_914 = arith.index_cast %multiple_of3A_897 : i32 to index
        %get3A_915 = tpu.vector_load %arg12[%get3A_914] {strides = array<i32>} : memref<64xi32, #tpu.memory_space<vmem>>, vector<16xi32>,
        %eq3A_916 = vector.broadcast %select_n3A_913 : i32 to vector<16xi32>
        %eq3A_917 = arith.cmpi eq, %iota3A, %eq3A_916 : vector<16xi32>
        %jit3A_918 = arith.constant 2147483647 : i32
        %broadcast_in_dim3A_919 = vector.broadcast %jit3A_918 : i32 to vector<16xi32>
        %select_n3A_920 = arith.select %eq3A_917, %get3A_915, %broadcast_in_dim3A_919 : vector<16xi1>, vector<16xi32>
        %reduce_min3A_921 = arith.constant true
        %reduce_min3A_922 = vector.broadcast %reduce_min3A_921 : i1 to vector<16xi1>
        %reduce_min3A_923 = arith.constant -2147483648 : i32
        %reduce_min3A_924 = vector.broadcast %reduce_min3A_923 : i32 to vector<16xi32>
        %reduce_min3A_925 = arith.xori %select_n3A_920, %reduce_min3A_924 : vector<16xi32>
        %reduce_min3A_926 = tpu.scan <min>, %reduce_min3A_925 masked %reduce_min3A_922 : vector<16xi32>, vector<16xi1> -> vector<16xi32>
        %reduce_min3A_927 = arith.xori %reduce_min3A_926, %reduce_min3A_924 : vector<16xi32>
        %reduce_min3A_928 = vector.extract %reduce_min3A_927[15] : i32 from vector<16xi32>
        %jit3A_929 = arith.constant 320 : i32
        %div3A_930 = arith.divsi %reduce_min3A_928, %jit3A_929 : i32
        %sign3A_931 = arith.constant 0 : i32
        %sign3A_932 = arith.cmpi sgt, %reduce_min3A_928, %sign3A_931 : i32
        %sign3A_933 = arith.extui %sign3A_932 : i1 to i32
        %sign3A_934 = arith.constant 0 : i32
        %sign3A_935 = arith.cmpi slt, %reduce_min3A_928, %sign3A_934 : i32
        %sign3A_936 = arith.extui %sign3A_935 : i1 to i32
        %sign3A_937 = arith.subi %sign3A_933, %sign3A_936 : i32
        %sign3A_938 = arith.constant 0 : i32
        %sign3A_939 = arith.cmpi sgt, %jit3A_929, %sign3A_938 : i32
        %sign3A_940 = arith.extui %sign3A_939 : i1 to i32
        %sign3A_941 = arith.constant 0 : i32
        %sign3A_942 = arith.cmpi slt, %jit3A_929, %sign3A_941 : i32
        %sign3A_943 = arith.extui %sign3A_942 : i1 to i32
        %sign3A_944 = arith.subi %sign3A_940, %sign3A_943 : i32
        %ne3A_945 = arith.cmpi ne, %sign3A_937, %sign3A_944 : i32
        %rem3A_946 = arith.remsi %reduce_min3A_928, %jit3A_929 : i32
        %ne3A_947 = arith.constant 0 : i32
        %ne3A_948 = arith.cmpi ne, %rem3A_946, %ne3A_947 : i32
        %and3A_949 = arith.andi %ne3A_945, %ne3A_948 : i1
        %sub3A_950 = arith.constant 1 : i32
        %sub3A_951 = arith.subi %div3A_930, %sub3A_950 : i32
        %select_n3A_952 = arith.select %and3A_949, %sub3A_951, %div3A_930 : i32
        %eq3A_953 = arith.cmpi eq, %select_n3A_952, %add3A_281 : i32
        %convert_element_type3A = arith.extui %eq3A_953 : i1 to i32
        %cond3A = arith.constant 0 : i32
        %cond3A_954 = arith.cmpi ne, %convert_element_type3A, %cond3A : i32
        scf.if %cond3A_954 {
          %mul3A_956 = arith.constant 320 : i32
          %mul3A_957 = arith.muli %add3A_281, %mul3A_956 : i32
          %sub3A_958 = arith.subi %reduce_min3A_928, %mul3A_957 : i32
          %jit3A_959 = arith.constant 16 : i32
          %div3A_960 = arith.divsi %sub3A_958, %jit3A_959 : i32
          %sign3A_961 = arith.constant 0 : i32
          %sign3A_962 = arith.cmpi sgt, %sub3A_958, %sign3A_961 : i32
          %sign3A_963 = arith.extui %sign3A_962 : i1 to i32
          %sign3A_964 = arith.constant 0 : i32
          %sign3A_965 = arith.cmpi slt, %sub3A_958, %sign3A_964 : i32
          %sign3A_966 = arith.extui %sign3A_965 : i1 to i32
          %sign3A_967 = arith.subi %sign3A_963, %sign3A_966 : i32
          %sign3A_968 = arith.constant 0 : i32
          %sign3A_969 = arith.cmpi sgt, %jit3A_959, %sign3A_968 : i32
          %sign3A_970 = arith.extui %sign3A_969 : i1 to i32
          %sign3A_971 = arith.constant 0 : i32
          %sign3A_972 = arith.cmpi slt, %jit3A_959, %sign3A_971 : i32
          %sign3A_973 = arith.extui %sign3A_972 : i1 to i32
          %sign3A_974 = arith.subi %sign3A_970, %sign3A_973 : i32
          %ne3A_975 = arith.cmpi ne, %sign3A_967, %sign3A_974 : i32
          %rem3A_976 = arith.remsi %sub3A_958, %jit3A_959 : i32
          %ne3A_977 = arith.constant 0 : i32
          %ne3A_978 = arith.cmpi ne, %rem3A_976, %ne3A_977 : i32
          %and3A_979 = arith.andi %ne3A_975, %ne3A_978 : i1
          %sub3A_980 = arith.constant 1 : i32
          %sub3A_981 = arith.subi %div3A_960, %sub3A_980 : i32
          %select_n3A_982 = arith.select %and3A_979, %sub3A_981, %div3A_960 : i32
          %mul3A_983 = arith.constant 16 : i32
          %mul3A_984 = arith.muli %select_n3A_982, %mul3A_983 : i32
          %multiple_of3A_985 = tpu.assume_multiple %mul3A_984, 16 : i32
          %jit3A_986 = arith.constant 16 : i32
          %eq3A_987 = arith.constant 0 : i32
          %eq3A_988 = arith.cmpi eq, %jit3A_986, %eq3A_987 : i32
          %jit3A_989 = arith.constant 1 : i32
          %select_n3A_990 = arith.select %eq3A_988, %jit3A_989, %jit3A_986 : i32
          %rem3A_991 = arith.remsi %sub3A_958, %select_n3A_990 : i32
          %ne3A_992 = arith.constant 0 : i32
          %ne3A_993 = arith.cmpi ne, %rem3A_991, %ne3A_992 : i32
          %lt3A_994 = arith.constant 0 : i32
          %lt3A_995 = arith.cmpi slt, %rem3A_991, %lt3A_994 : i32
          %lt3A_996 = arith.constant 0 : i32
          %lt3A_997 = arith.cmpi slt, %select_n3A_990, %lt3A_996 : i32
          %ne3A_998 = arith.xori %lt3A_995, %lt3A_997 : i1
          %and3A_999 = arith.andi %ne3A_998, %ne3A_993 : i1
          %add3A_1000 = arith.addi %rem3A_991, %select_n3A_990 : i32
          %select_n3A_1001 = arith.select %and3A_999, %add3A_1000, %rem3A_991 : i32
          %get3A_1002 = arith.index_cast %multiple_of3A_985 : i32 to index
          %get3A_1003 = tpu.vector_load %arg10[%get3A_1002] {strides = array<i32>} : memref<320xf32, #tpu.memory_space<vmem>>, vector<16xf32>,
          %eq3A_1004 = vector.broadcast %select_n3A_1001 : i32 to vector<16xi32>
          %eq3A_1005 = arith.cmpi eq, %iota3A, %eq3A_1004 : vector<16xi32>
          %jit3A_1006 = arith.constant 0xFF800000 : f32
          %broadcast_in_dim3A_1007 = vector.broadcast %jit3A_1006 : f32 to vector<16xf32>
          %select_n3A_1008 = arith.select %eq3A_1005, %broadcast_in_dim3A_1007, %get3A_1003 : vector<16xi1>, vector<16xf32>
          %swap3A_1009 = arith.index_cast %multiple_of3A_985 : i32 to index
          %swap3A_1010 = tpu.vector_load %arg10[%swap3A_1009] {strides = array<i32>} : memref<320xf32, #tpu.memory_space<vmem>>, vector<16xf32>,
          tpu.vector_store %arg10[%swap3A_1009], %select_n3A_1008 {strides = array<i32>} : memref<320xf32, #tpu.memory_space<vmem>>, vector<16xf32>,
        } else {
        }
        %while3A_955 = arith.constant 0 : i32
        scf.yield %while3A_955 : i32
      }
      %while3A_316 = arith.constant 1 : i32
      %while3A_317 = scf.for %while3A_869 = %while3A_313 to %while3A_309 step %while3A_316 iter_args(%while3A_870 = %while3A_315) -> (i32)  : i32 {
        %jit3A_871 = arith.constant 16 : i32
        %div3A_872 = arith.divsi %while3A_869, %jit3A_871 : i32
        %sign3A_873 = arith.constant 0 : i32
        %sign3A_874 = arith.cmpi sgt, %while3A_869, %sign3A_873 : i32
        %sign3A_875 = arith.extui %sign3A_874 : i1 to i32
        %sign3A_876 = arith.constant 0 : i32
        %sign3A_877 = arith.cmpi slt, %while3A_869, %sign3A_876 : i32
        %sign3A_878 = arith.extui %sign3A_877 : i1 to i32
        %sign3A_879 = arith.subi %sign3A_875, %sign3A_878 : i32
        %sign3A_880 = arith.constant 0 : i32
        %sign3A_881 = arith.cmpi sgt, %jit3A_871, %sign3A_880 : i32
        %sign3A_882 = arith.extui %sign3A_881 : i1 to i32
        %sign3A_883 = arith.constant 0 : i32
        %sign3A_884 = arith.cmpi slt, %jit3A_871, %sign3A_883 : i32
        %sign3A_885 = arith.extui %sign3A_884 : i1 to i32
        %sign3A_886 = arith.subi %sign3A_882, %sign3A_885 : i32
        %ne3A_887 = arith.cmpi ne, %sign3A_879, %sign3A_886 : i32
        %rem3A_888 = arith.remsi %while3A_869, %jit3A_871 : i32
        %ne3A_889 = arith.constant 0 : i32
        %ne3A_890 = arith.cmpi ne, %rem3A_888, %ne3A_889 : i32
        %and3A_891 = arith.andi %ne3A_887, %ne3A_890 : i1
        %sub3A_892 = arith.constant 1 : i32
        %sub3A_893 = arith.subi %div3A_872, %sub3A_892 : i32
        %select_n3A_894 = arith.select %and3A_891, %sub3A_893, %div3A_872 : i32
        %mul3A_895 = arith.constant 16 : i32
        %mul3A_896 = arith.muli %select_n3A_894, %mul3A_895 : i32
        %multiple_of3A_897 = tpu.assume_multiple %mul3A_896, 16 : i32
        %jit3A_898 = arith.constant 16 : i32
        %eq3A_899 = arith.constant 0 : i32
        %eq3A_900 = arith.cmpi eq, %jit3A_898, %eq3A_899 : i32
        %jit3A_901 = arith.constant 1 : i32
        %select_n3A_902 = arith.select %eq3A_900, %jit3A_901, %jit3A_898 : i32
        %rem3A_903 = arith.remsi %while3A_869, %select_n3A_902 : i32
        %ne3A_904 = arith.constant 0 : i32
        %ne3A_905 = arith.cmpi ne, %rem3A_903, %ne3A_904 : i32
        %lt3A_906 = arith.constant 0 : i32
        %lt3A_907 = arith.cmpi slt, %rem3A_903, %lt3A_906 : i32
        %lt3A_908 = arith.constant 0 : i32
        %lt3A_909 = arith.cmpi slt, %select_n3A_902, %lt3A_908 : i32
        %ne3A_910 = arith.xori %lt3A_907, %lt3A_909 : i1
        %and3A_911 = arith.andi %ne3A_910, %ne3A_905 : i1
        %add3A_912 = arith.addi %rem3A_903, %select_n3A_902 : i32
        %select_n3A_913 = arith.select %and3A_911, %add3A_912, %rem3A_903 : i32
        %get3A_914 = arith.index_cast %multiple_of3A_897 : i32 to index
        %get3A_915 = tpu.vector_load %arg12[%get3A_914] {strides = array<i32>} : memref<64xi32, #tpu.memory_space<vmem>>, vector<16xi32>,
        %eq3A_916 = vector.broadcast %select_n3A_913 : i32 to vector<16xi32>
        %eq3A_917 = arith.cmpi eq, %iota3A, %eq3A_916 : vector<16xi32>
        %jit3A_918 = arith.constant 2147483647 : i32
        %broadcast_in_dim3A_919 = vector.broadcast %jit3A_918 : i32 to vector<16xi32>
        %select_n3A_920 = arith.select %eq3A_917, %get3A_915, %broadcast_in_dim3A_919 : vector<16xi1>, vector<16xi32>
        %reduce_min3A_921 = arith.constant true
        %reduce_min3A_922 = vector.broadcast %reduce_min3A_921 : i1 to vector<16xi1>
        %reduce_min3A_923 = arith.constant -2147483648 : i32
        %reduce_min3A_924 = vector.broadcast %reduce_min3A_923 : i32 to vector<16xi32>
        %reduce_min3A_925 = arith.xori %select_n3A_920, %reduce_min3A_924 : vector<16xi32>
        %reduce_min3A_926 = tpu.scan <min>, %reduce_min3A_925 masked %reduce_min3A_922 : vector<16xi32>, vector<16xi1> -> vector<16xi32>
        %reduce_min3A_927 = arith.xori %reduce_min3A_926, %reduce_min3A_924 : vector<16xi32>
        %reduce_min3A_928 = vector.extract %reduce_min3A_927[15] : i32 from vector<16xi32>
        %jit3A_929 = arith.constant 320 : i32
        %div3A_930 = arith.divsi %reduce_min3A_928, %jit3A_929 : i32
        %sign3A_931 = arith.constant 0 : i32
        %sign3A_932 = arith.cmpi sgt, %reduce_min3A_928, %sign3A_931 : i32
        %sign3A_933 = arith.extui %sign3A_932 : i1 to i32
        %sign3A_934 = arith.constant 0 : i32
        %sign3A_935 = arith.cmpi slt, %reduce_min3A_928, %sign3A_934 : i32
        %sign3A_936 = arith.extui %sign3A_935 : i1 to i32
        %sign3A_937 = arith.subi %sign3A_933, %sign3A_936 : i32
        %sign3A_938 = arith.constant 0 : i32
        %sign3A_939 = arith.cmpi sgt, %jit3A_929, %sign3A_938 : i32
        %sign3A_940 = arith.extui %sign3A_939 : i1 to i32
        %sign3A_941 = arith.constant 0 : i32
        %sign3A_942 = arith.cmpi slt, %jit3A_929, %sign3A_941 : i32
        %sign3A_943 = arith.extui %sign3A_942 : i1 to i32
        %sign3A_944 = arith.subi %sign3A_940, %sign3A_943 : i32
        %ne3A_945 = arith.cmpi ne, %sign3A_937, %sign3A_944 : i32
        %rem3A_946 = arith.remsi %reduce_min3A_928, %jit3A_929 : i32
        %ne3A_947 = arith.constant 0 : i32
        %ne3A_948 = arith.cmpi ne, %rem3A_946, %ne3A_947 : i32
        %and3A_949 = arith.andi %ne3A_945, %ne3A_948 : i1
        %sub3A_950 = arith.constant 1 : i32
        %sub3A_951 = arith.subi %div3A_930, %sub3A_950 : i32
        %select_n3A_952 = arith.select %and3A_949, %sub3A_951, %div3A_930 : i32
        %eq3A_953 = arith.cmpi eq, %select_n3A_952, %add3A_281 : i32
        %convert_element_type3A = arith.extui %eq3A_953 : i1 to i32
        %cond3A = arith.constant 0 : i32
        %cond3A_954 = arith.cmpi ne, %convert_element_type3A, %cond3A : i32
        scf.if %cond3A_954 {
          %mul3A_956 = arith.constant 320 : i32
          %mul3A_957 = arith.muli %add3A_281, %mul3A_956 : i32
          %sub3A_958 = arith.subi %reduce_min3A_928, %mul3A_957 : i32
          %jit3A_959 = arith.constant 16 : i32
          %div3A_960 = arith.divsi %sub3A_958, %jit3A_959 : i32
          %sign3A_961 = arith.constant 0 : i32
          %sign3A_962 = arith.cmpi sgt, %sub3A_958, %sign3A_961 : i32
          %sign3A_963 = arith.extui %sign3A_962 : i1 to i32
          %sign3A_964 = arith.constant 0 : i32
          %sign3A_965 = arith.cmpi slt, %sub3A_958, %sign3A_964 : i32
          %sign3A_966 = arith.extui %sign3A_965 : i1 to i32
          %sign3A_967 = arith.subi %sign3A_963, %sign3A_966 : i32
          %sign3A_968 = arith.constant 0 : i32
          %sign3A_969 = arith.cmpi sgt, %jit3A_959, %sign3A_968 : i32
          %sign3A_970 = arith.extui %sign3A_969 : i1 to i32
          %sign3A_971 = arith.constant 0 : i32
          %sign3A_972 = arith.cmpi slt, %jit3A_959, %sign3A_971 : i32
          %sign3A_973 = arith.extui %sign3A_972 : i1 to i32
          %sign3A_974 = arith.subi %sign3A_970, %sign3A_973 : i32
          %ne3A_975 = arith.cmpi ne, %sign3A_967, %sign3A_974 : i32
          %rem3A_976 = arith.remsi %sub3A_958, %jit3A_959 : i32
          %ne3A_977 = arith.constant 0 : i32
          %ne3A_978 = arith.cmpi ne, %rem3A_976, %ne3A_977 : i32
          %and3A_979 = arith.andi %ne3A_975, %ne3A_978 : i1
          %sub3A_980 = arith.constant 1 : i32
          %sub3A_981 = arith.subi %div3A_960, %sub3A_980 : i32
          %select_n3A_982 = arith.select %and3A_979, %sub3A_981, %div3A_960 : i32
          %mul3A_983 = arith.constant 16 : i32
          %mul3A_984 = arith.muli %select_n3A_982, %mul3A_983 : i32
          %multiple_of3A_985 = tpu.assume_multiple %mul3A_984, 16 : i32
          %jit3A_986 = arith.constant 16 : i32
          %eq3A_987 = arith.constant 0 : i32
          %eq3A_988 = arith.cmpi eq, %jit3A_986, %eq3A_987 : i32
          %jit3A_989 = arith.constant 1 : i32
          %select_n3A_990 = arith.select %eq3A_988, %jit3A_989, %jit3A_986 : i32
          %rem3A_991 = arith.remsi %sub3A_958, %select_n3A_990 : i32
          %ne3A_992 = arith.constant 0 : i32
          %ne3A_993 = arith.cmpi ne, %rem3A_991, %ne3A_992 : i32
          %lt3A_994 = arith.constant 0 : i32
          %lt3A_995 = arith.cmpi slt, %rem3A_991, %lt3A_994 : i32
          %lt3A_996 = arith.constant 0 : i32
          %lt3A_997 = arith.cmpi slt, %select_n3A_990, %lt3A_996 : i32
          %ne3A_998 = arith.xori %lt3A_995, %lt3A_997 : i1
          %and3A_999 = arith.andi %ne3A_998, %ne3A_993 : i1
          %add3A_1000 = arith.addi %rem3A_991, %select_n3A_990 : i32
          %select_n3A_1001 = arith.select %and3A_999, %add3A_1000, %rem3A_991 : i32
          %get3A_1002 = arith.index_cast %multiple_of3A_985 : i32 to index
          %get3A_1003 = tpu.vector_load %arg10[%get3A_1002] {strides = array<i32>} : memref<320xf32, #tpu.memory_space<vmem>>, vector<16xf32>,
          %eq3A_1004 = vector.broadcast %select_n3A_1001 : i32 to vector<16xi32>
          %eq3A_1005 = arith.cmpi eq, %iota3A, %eq3A_1004 : vector<16xi32>
          %jit3A_1006 = arith.constant 0xFF800000 : f32
          %broadcast_in_dim3A_1007 = vector.broadcast %jit3A_1006 : f32 to vector<16xf32>
          %select_n3A_1008 = arith.select %eq3A_1005, %broadcast_in_dim3A_1007, %get3A_1003 : vector<16xi1>, vector<16xf32>
          %swap3A_1009 = arith.index_cast %multiple_of3A_985 : i32 to index
          %swap3A_1010 = tpu.vector_load %arg10[%swap3A_1009] {strides = array<i32>} : memref<320xf32, #tpu.memory_space<vmem>>, vector<16xf32>,
          tpu.vector_store %arg10[%swap3A_1009], %select_n3A_1008 {strides = array<i32>} : memref<320xf32, #tpu.memory_space<vmem>>, vector<16xf32>,
        } else {
        }
        %while3A_955 = arith.constant 0 : i32
        scf.yield %while3A_955 : i32
      }
      %broadcast_in_dim3A_318 = arith.constant 2147483647 : i32
      %broadcast_in_dim3A_319 = vector.broadcast %broadcast_in_dim3A_318 : i32 to vector<16xi32>
      %get3A_320 = arith.constant 0 : index
      %get3A_321 = tpu.vector_load %arg10[%get3A_320] {strides = array<i32>} : memref<320xf32, #tpu.memory_space<vmem>>, vector<16xf32>,
      %eq3A_322 = vector.broadcast %reduce_max3A_290 : f32 to vector<16xf32>
      %eq3A_323 = arith.cmpf oeq, %get3A_321, %eq3A_322 : vector<16xf32>
      %jit3A_324 = arith.constant 0 : i32
      %jit3A_325 = arith.constant 2147483647 : i32
      %broadcast_in_dim3A_326 = vector.broadcast %jit3A_324 : i32 to vector<16xi32>
      %broadcast_in_dim3A_327 = vector.broadcast %jit3A_325 : i32 to vector<16xi32>
      %select_n3A_328 = arith.select %eq3A_323, %broadcast_in_dim3A_326, %broadcast_in_dim3A_327 : vector<16xi1>, vector<16xi32>
      %min3A_329 = arith.minsi %broadcast_in_dim3A_319, %select_n3A_328 : vector<16xi32>
      %get3A_330 = arith.constant 16 : index
      %get3A_331 = tpu.vector_load %arg10[%get3A_330] {strides = array<i32>} : memref<320xf32, #tpu.memory_space<vmem>>, vector<16xf32>,
      %eq3A_332 = vector.broadcast %reduce_max3A_290 : f32 to vector<16xf32>
      %eq3A_333 = arith.cmpf oeq, %get3A_331, %eq3A_332 : vector<16xf32>
      %jit3A_334 = arith.constant 1 : i32
      %jit3A_335 = arith.constant 2147483647 : i32
      %broadcast_in_dim3A_336 = vector.broadcast %jit3A_334 : i32 to vector<16xi32>
      %broadcast_in_dim3A_337 = vector.broadcast %jit3A_335 : i32 to vector<16xi32>
      %select_n3A_338 = arith.select %eq3A_333, %broadcast_in_dim3A_336, %broadcast_in_dim3A_337 : vector<16xi1>, vector<16xi32>
      %min3A_339 = arith.minsi %min3A_329, %select_n3A_338 : vector<16xi32>
      %get3A_340 = arith.constant 32 : index
      %get3A_341 = tpu.vector_load %arg10[%get3A_340] {strides = array<i32>} : memref<320xf32, #tpu.memory_space<vmem>>, vector<16xf32>,
      %eq3A_342 = vector.broadcast %reduce_max3A_290 : f32 to vector<16xf32>
      %eq3A_343 = arith.cmpf oeq, %get3A_341, %eq3A_342 : vector<16xf32>
      %jit3A_344 = arith.constant 2 : i32
      %jit3A_345 = arith.constant 2147483647 : i32
      %broadcast_in_dim3A_346 = vector.broadcast %jit3A_344 : i32 to vector<16xi32>
      %broadcast_in_dim3A_347 = vector.broadcast %jit3A_345 : i32 to vector<16xi32>
      %select_n3A_348 = arith.select %eq3A_343, %broadcast_in_dim3A_346, %broadcast_in_dim3A_347 : vector<16xi1>, vector<16xi32>
      %min3A_349 = arith.minsi %min3A_339, %select_n3A_348 : vector<16xi32>
      %get3A_350 = arith.constant 48 : index
      %get3A_351 = tpu.vector_load %arg10[%get3A_350] {strides = array<i32>} : memref<320xf32, #tpu.memory_space<vmem>>, vector<16xf32>,
      %eq3A_352 = vector.broadcast %reduce_max3A_290 : f32 to vector<16xf32>
      %eq3A_353 = arith.cmpf oeq, %get3A_351, %eq3A_352 : vector<16xf32>
      %jit3A_354 = arith.constant 3 : i32
      %jit3A_355 = arith.constant 2147483647 : i32
      %broadcast_in_dim3A_356 = vector.broadcast %jit3A_354 : i32 to vector<16xi32>
      %broadcast_in_dim3A_357 = vector.broadcast %jit3A_355 : i32 to vector<16xi32>
      %select_n3A_358 = arith.select %eq3A_353, %broadcast_in_dim3A_356, %broadcast_in_dim3A_357 : vector<16xi1>, vector<16xi32>
      %min3A_359 = arith.minsi %min3A_349, %select_n3A_358 : vector<16xi32>
      %get3A_360 = arith.constant 64 : index
      %get3A_361 = tpu.vector_load %arg10[%get3A_360] {strides = array<i32>} : memref<320xf32, #tpu.memory_space<vmem>>, vector<16xf32>,
      %eq3A_362 = vector.broadcast %reduce_max3A_290 : f32 to vector<16xf32>
      %eq3A_363 = arith.cmpf oeq, %get3A_361, %eq3A_362 : vector<16xf32>
      %jit3A_364 = arith.constant 4 : i32
      %jit3A_365 = arith.constant 2147483647 : i32
      %broadcast_in_dim3A_366 = vector.broadcast %jit3A_364 : i32 to vector<16xi32>
      %broadcast_in_dim3A_367 = vector.broadcast %jit3A_365 : i32 to vector<16xi32>
      %select_n3A_368 = arith.select %eq3A_363, %broadcast_in_dim3A_366, %broadcast_in_dim3A_367 : vector<16xi1>, vector<16xi32>
      %min3A_369 = arith.minsi %min3A_359, %select_n3A_368 : vector<16xi32>
      %get3A_370 = arith.constant 80 : index
      %get3A_371 = tpu.vector_load %arg10[%get3A_370] {strides = array<i32>} : memref<320xf32, #tpu.memory_space<vmem>>, vector<16xf32>,
      %eq3A_372 = vector.broadcast %reduce_max3A_290 : f32 to vector<16xf32>
      %eq3A_373 = arith.cmpf oeq, %get3A_371, %eq3A_372 : vector<16xf32>
      %jit3A_374 = arith.constant 5 : i32
      %jit3A_375 = arith.constant 2147483647 : i32
      %broadcast_in_dim3A_376 = vector.broadcast %jit3A_374 : i32 to vector<16xi32>
      %broadcast_in_dim3A_377 = vector.broadcast %jit3A_375 : i32 to vector<16xi32>
      %select_n3A_378 = arith.select %eq3A_373, %broadcast_in_dim3A_376, %broadcast_in_dim3A_377 : vector<16xi1>, vector<16xi32>
      %min3A_379 = arith.minsi %min3A_369, %select_n3A_378 : vector<16xi32>
      %get3A_380 = arith.constant 96 : index
      %get3A_381 = tpu.vector_load %arg10[%get3A_380] {strides = array<i32>} : memref<320xf32, #tpu.memory_space<vmem>>, vector<16xf32>,
      %eq3A_382 = vector.broadcast %reduce_max3A_290 : f32 to vector<16xf32>
      %eq3A_383 = arith.cmpf oeq, %get3A_381, %eq3A_382 : vector<16xf32>
      %jit3A_384 = arith.constant 6 : i32
      %jit3A_385 = arith.constant 2147483647 : i32
      %broadcast_in_dim3A_386 = vector.broadcast %jit3A_384 : i32 to vector<16xi32>
      %broadcast_in_dim3A_387 = vector.broadcast %jit3A_385 : i32 to vector<16xi32>
      %select_n3A_388 = arith.select %eq3A_383, %broadcast_in_dim3A_386, %broadcast_in_dim3A_387 : vector<16xi1>, vector<16xi32>
      %min3A_389 = arith.minsi %min3A_379, %select_n3A_388 : vector<16xi32>
      %get3A_390 = arith.constant 112 : index
      %get3A_391 = tpu.vector_load %arg10[%get3A_390] {strides = array<i32>} : memref<320xf32, #tpu.memory_space<vmem>>, vector<16xf32>,
      %eq3A_392 = vector.broadcast %reduce_max3A_290 : f32 to vector<16xf32>
      %eq3A_393 = arith.cmpf oeq, %get3A_391, %eq3A_392 : vector<16xf32>
      %jit3A_394 = arith.constant 7 : i32
      %jit3A_395 = arith.constant 2147483647 : i32
      %broadcast_in_dim3A_396 = vector.broadcast %jit3A_394 : i32 to vector<16xi32>
      %broadcast_in_dim3A_397 = vector.broadcast %jit3A_395 : i32 to vector<16xi32>
      %select_n3A_398 = arith.select %eq3A_393, %broadcast_in_dim3A_396, %broadcast_in_dim3A_397 : vector<16xi1>, vector<16xi32>
      %min3A_399 = arith.minsi %min3A_389, %select_n3A_398 : vector<16xi32>
      %get3A_400 = arith.constant 128 : index
      %get3A_401 = tpu.vector_load %arg10[%get3A_400] {strides = array<i32>} : memref<320xf32, #tpu.memory_space<vmem>>, vector<16xf32>,
      %eq3A_402 = vector.broadcast %reduce_max3A_290 : f32 to vector<16xf32>
      %eq3A_403 = arith.cmpf oeq, %get3A_401, %eq3A_402 : vector<16xf32>
      %jit3A_404 = arith.constant 8 : i32
      %jit3A_405 = arith.constant 2147483647 : i32
      %broadcast_in_dim3A_406 = vector.broadcast %jit3A_404 : i32 to vector<16xi32>
      %broadcast_in_dim3A_407 = vector.broadcast %jit3A_405 : i32 to vector<16xi32>
      %select_n3A_408 = arith.select %eq3A_403, %broadcast_in_dim3A_406, %broadcast_in_dim3A_407 : vector<16xi1>, vector<16xi32>
      %min3A_409 = arith.minsi %min3A_399, %select_n3A_408 : vector<16xi32>
      %get3A_410 = arith.constant 144 : index
      %get3A_411 = tpu.vector_load %arg10[%get3A_410] {strides = array<i32>} : memref<320xf32, #tpu.memory_space<vmem>>, vector<16xf32>,
      %eq3A_412 = vector.broadcast %reduce_max3A_290 : f32 to vector<16xf32>
      %eq3A_413 = arith.cmpf oeq, %get3A_411, %eq3A_412 : vector<16xf32>
      %jit3A_414 = arith.constant 9 : i32
      %jit3A_415 = arith.constant 2147483647 : i32
      %broadcast_in_dim3A_416 = vector.broadcast %jit3A_414 : i32 to vector<16xi32>
      %broadcast_in_dim3A_417 = vector.broadcast %jit3A_415 : i32 to vector<16xi32>
      %select_n3A_418 = arith.select %eq3A_413, %broadcast_in_dim3A_416, %broadcast_in_dim3A_417 : vector<16xi1>, vector<16xi32>
      %min3A_419 = arith.minsi %min3A_409, %select_n3A_418 : vector<16xi32>
      %get3A_420 = arith.constant 160 : index
      %get3A_421 = tpu.vector_load %arg10[%get3A_420] {strides = array<i32>} : memref<320xf32, #tpu.memory_space<vmem>>, vector<16xf32>,
      %eq3A_422 = vector.broadcast %reduce_max3A_290 : f32 to vector<16xf32>
      %eq3A_423 = arith.cmpf oeq, %get3A_421, %eq3A_422 : vector<16xf32>
      %jit3A_424 = arith.constant 10 : i32
      %jit3A_425 = arith.constant 2147483647 : i32
      %broadcast_in_dim3A_426 = vector.broadcast %jit3A_424 : i32 to vector<16xi32>
      %broadcast_in_dim3A_427 = vector.broadcast %jit3A_425 : i32 to vector<16xi32>
      %select_n3A_428 = arith.select %eq3A_423, %broadcast_in_dim3A_426, %broadcast_in_dim3A_427 : vector<16xi1>, vector<16xi32>
      %min3A_429 = arith.minsi %min3A_419, %select_n3A_428 : vector<16xi32>
      %get3A_430 = arith.constant 176 : index
      %get3A_431 = tpu.vector_load %arg10[%get3A_430] {strides = array<i32>} : memref<320xf32, #tpu.memory_space<vmem>>, vector<16xf32>,
      %eq3A_432 = vector.broadcast %reduce_max3A_290 : f32 to vector<16xf32>
      %eq3A_433 = arith.cmpf oeq, %get3A_431, %eq3A_432 : vector<16xf32>
      %jit3A_434 = arith.constant 11 : i32
      %jit3A_435 = arith.constant 2147483647 : i32
      %broadcast_in_dim3A_436 = vector.broadcast %jit3A_434 : i32 to vector<16xi32>
      %broadcast_in_dim3A_437 = vector.broadcast %jit3A_435 : i32 to vector<16xi32>
      %select_n3A_438 = arith.select %eq3A_433, %broadcast_in_dim3A_436, %broadcast_in_dim3A_437 : vector<16xi1>, vector<16xi32>
      %min3A_439 = arith.minsi %min3A_429, %select_n3A_438 : vector<16xi32>
      %get3A_440 = arith.constant 192 : index
      %get3A_441 = tpu.vector_load %arg10[%get3A_440] {strides = array<i32>} : memref<320xf32, #tpu.memory_space<vmem>>, vector<16xf32>,
      %eq3A_442 = vector.broadcast %reduce_max3A_290 : f32 to vector<16xf32>
      %eq3A_443 = arith.cmpf oeq, %get3A_441, %eq3A_442 : vector<16xf32>
      %jit3A_444 = arith.constant 12 : i32
      %jit3A_445 = arith.constant 2147483647 : i32
      %broadcast_in_dim3A_446 = vector.broadcast %jit3A_444 : i32 to vector<16xi32>
      %broadcast_in_dim3A_447 = vector.broadcast %jit3A_445 : i32 to vector<16xi32>
      %select_n3A_448 = arith.select %eq3A_443, %broadcast_in_dim3A_446, %broadcast_in_dim3A_447 : vector<16xi1>, vector<16xi32>
      %min3A_449 = arith.minsi %min3A_439, %select_n3A_448 : vector<16xi32>
      %get3A_450 = arith.constant 208 : index
      %get3A_451 = tpu.vector_load %arg10[%get3A_450] {strides = array<i32>} : memref<320xf32, #tpu.memory_space<vmem>>, vector<16xf32>,
      %eq3A_452 = vector.broadcast %reduce_max3A_290 : f32 to vector<16xf32>
      %eq3A_453 = arith.cmpf oeq, %get3A_451, %eq3A_452 : vector<16xf32>
      %jit3A_454 = arith.constant 13 : i32
      %jit3A_455 = arith.constant 2147483647 : i32
      %broadcast_in_dim3A_456 = vector.broadcast %jit3A_454 : i32 to vector<16xi32>
      %broadcast_in_dim3A_457 = vector.broadcast %jit3A_455 : i32 to vector<16xi32>
      %select_n3A_458 = arith.select %eq3A_453, %broadcast_in_dim3A_456, %broadcast_in_dim3A_457 : vector<16xi1>, vector<16xi32>
      %min3A_459 = arith.minsi %min3A_449, %select_n3A_458 : vector<16xi32>
      %get3A_460 = arith.constant 224 : index
      %get3A_461 = tpu.vector_load %arg10[%get3A_460] {strides = array<i32>} : memref<320xf32, #tpu.memory_space<vmem>>, vector<16xf32>,
      %eq3A_462 = vector.broadcast %reduce_max3A_290 : f32 to vector<16xf32>
      %eq3A_463 = arith.cmpf oeq, %get3A_461, %eq3A_462 : vector<16xf32>
      %jit3A_464 = arith.constant 14 : i32
      %jit3A_465 = arith.constant 2147483647 : i32
      %broadcast_in_dim3A_466 = vector.broadcast %jit3A_464 : i32 to vector<16xi32>
      %broadcast_in_dim3A_467 = vector.broadcast %jit3A_465 : i32 to vector<16xi32>
      %select_n3A_468 = arith.select %eq3A_463, %broadcast_in_dim3A_466, %broadcast_in_dim3A_467 : vector<16xi1>, vector<16xi32>
      %min3A_469 = arith.minsi %min3A_459, %select_n3A_468 : vector<16xi32>
      %get3A_470 = arith.constant 240 : index
      %get3A_471 = tpu.vector_load %arg10[%get3A_470] {strides = array<i32>} : memref<320xf32, #tpu.memory_space<vmem>>, vector<16xf32>,
      %eq3A_472 = vector.broadcast %reduce_max3A_290 : f32 to vector<16xf32>
      %eq3A_473 = arith.cmpf oeq, %get3A_471, %eq3A_472 : vector<16xf32>
      %jit3A_474 = arith.constant 15 : i32
      %jit3A_475 = arith.constant 2147483647 : i32
      %broadcast_in_dim3A_476 = vector.broadcast %jit3A_474 : i32 to vector<16xi32>
      %broadcast_in_dim3A_477 = vector.broadcast %jit3A_475 : i32 to vector<16xi32>
      %select_n3A_478 = arith.select %eq3A_473, %broadcast_in_dim3A_476, %broadcast_in_dim3A_477 : vector<16xi1>, vector<16xi32>
      %min3A_479 = arith.minsi %min3A_469, %select_n3A_478 : vector<16xi32>
      %get3A_480 = arith.constant 256 : index
      %get3A_481 = tpu.vector_load %arg10[%get3A_480] {strides = array<i32>} : memref<320xf32, #tpu.memory_space<vmem>>, vector<16xf32>,
      %eq3A_482 = vector.broadcast %reduce_max3A_290 : f32 to vector<16xf32>
      %eq3A_483 = arith.cmpf oeq, %get3A_481, %eq3A_482 : vector<16xf32>
      %jit3A_484 = arith.constant 16 : i32
      %jit3A_485 = arith.constant 2147483647 : i32
      %broadcast_in_dim3A_486 = vector.broadcast %jit3A_484 : i32 to vector<16xi32>
      %broadcast_in_dim3A_487 = vector.broadcast %jit3A_485 : i32 to vector<16xi32>
      %select_n3A_488 = arith.select %eq3A_483, %broadcast_in_dim3A_486, %broadcast_in_dim3A_487 : vector<16xi1>, vector<16xi32>
      %min3A_489 = arith.minsi %min3A_479, %select_n3A_488 : vector<16xi32>
      %get3A_490 = arith.constant 272 : index
      %get3A_491 = tpu.vector_load %arg10[%get3A_490] {strides = array<i32>} : memref<320xf32, #tpu.memory_space<vmem>>, vector<16xf32>,
      %eq3A_492 = vector.broadcast %reduce_max3A_290 : f32 to vector<16xf32>
      %eq3A_493 = arith.cmpf oeq, %get3A_491, %eq3A_492 : vector<16xf32>
      %jit3A_494 = arith.constant 17 : i32
      %jit3A_495 = arith.constant 2147483647 : i32
      %broadcast_in_dim3A_496 = vector.broadcast %jit3A_494 : i32 to vector<16xi32>
      %broadcast_in_dim3A_497 = vector.broadcast %jit3A_495 : i32 to vector<16xi32>
      %select_n3A_498 = arith.select %eq3A_493, %broadcast_in_dim3A_496, %broadcast_in_dim3A_497 : vector<16xi1>, vector<16xi32>
      %min3A_499 = arith.minsi %min3A_489, %select_n3A_498 : vector<16xi32>
      %get3A_500 = arith.constant 288 : index
      %get3A_501 = tpu.vector_load %arg10[%get3A_500] {strides = array<i32>} : memref<320xf32, #tpu.memory_space<vmem>>, vector<16xf32>,
      %eq3A_502 = vector.broadcast %reduce_max3A_290 : f32 to vector<16xf32>
      %eq3A_503 = arith.cmpf oeq, %get3A_501, %eq3A_502 : vector<16xf32>
      %jit3A_504 = arith.constant 18 : i32
      %jit3A_505 = arith.constant 2147483647 : i32
      %broadcast_in_dim3A_506 = vector.broadcast %jit3A_504 : i32 to vector<16xi32>
      %broadcast_in_dim3A_507 = vector.broadcast %jit3A_505 : i32 to vector<16xi32>
      %select_n3A_508 = arith.select %eq3A_503, %broadcast_in_dim3A_506, %broadcast_in_dim3A_507 : vector<16xi1>, vector<16xi32>
      %min3A_509 = arith.minsi %min3A_499, %select_n3A_508 : vector<16xi32>
      %get3A_510 = arith.constant 304 : index
      %get3A_511 = tpu.vector_load %arg10[%get3A_510] {strides = array<i32>} : memref<320xf32, #tpu.memory_space<vmem>>, vector<16xf32>,
      %eq3A_512 = vector.broadcast %reduce_max3A_290 : f32 to vector<16xf32>
      %eq3A_513 = arith.cmpf oeq, %get3A_511, %eq3A_512 : vector<16xf32>
      %jit3A_514 = arith.constant 19 : i32
      %jit3A_515 = arith.constant 2147483647 : i32
      %broadcast_in_dim3A_516 = vector.broadcast %jit3A_514 : i32 to vector<16xi32>
      %broadcast_in_dim3A_517 = vector.broadcast %jit3A_515 : i32 to vector<16xi32>
      %select_n3A_518 = arith.select %eq3A_513, %broadcast_in_dim3A_516, %broadcast_in_dim3A_517 : vector<16xi1>, vector<16xi32>
      %min3A_519 = arith.minsi %min3A_509, %select_n3A_518 : vector<16xi32>
      %eq3A_520 = vector.broadcast %reduce_min3A_303 : i32 to vector<16xi32>
      %eq3A_521 = arith.cmpi eq, %iota3A, %eq3A_520 : vector<16xi32>
      %jit3A_522 = arith.constant 2147483647 : i32
      %broadcast_in_dim3A_523 = vector.broadcast %jit3A_522 : i32 to vector<16xi32>
      %select_n3A_524 = arith.select %eq3A_521, %min3A_519, %broadcast_in_dim3A_523 : vector<16xi1>, vector<16xi32>
      %reduce_min3A_525 = arith.constant true
      %reduce_min3A_526 = vector.broadcast %reduce_min3A_525 : i1 to vector<16xi1>
      %reduce_min3A_527 = arith.constant -2147483648 : i32
      %reduce_min3A_528 = vector.broadcast %reduce_min3A_527 : i32 to vector<16xi32>
      %reduce_min3A_529 = arith.xori %select_n3A_524, %reduce_min3A_528 : vector<16xi32>
      %reduce_min3A_530 = tpu.scan <min>, %reduce_min3A_529 masked %reduce_min3A_526 : vector<16xi32>, vector<16xi1> -> vector<16xi32>
      %reduce_min3A_531 = arith.xori %reduce_min3A_530, %reduce_min3A_528 : vector<16xi32>
      %reduce_min3A_532 = vector.extract %reduce_min3A_531[15] : i32 from vector<16xi32>
      %mul3A_533 = arith.constant 320 : i32
      %mul3A_534 = arith.muli %add3A_281, %mul3A_533 : i32
      %add3A_535 = arith.addi %mul3A_534, %reduce_min3A_303 : i32
      %mul3A_536 = arith.constant 16 : i32
      %mul3A_537 = arith.muli %mul3A_536, %reduce_min3A_532 : i32
      %add3A_538 = arith.addi %add3A_535, %mul3A_537 : i32
      %jit3A_539 = arith.constant 16 : i32
      %div3A = arith.divsi %scan3A_69, %jit3A_539 : i32
      %sign3A = arith.constant 0 : i32
      %sign3A_540 = arith.cmpi sgt, %scan3A_69, %sign3A : i32
      %sign3A_541 = arith.extui %sign3A_540 : i1 to i32
      %sign3A_542 = arith.constant 0 : i32
      %sign3A_543 = arith.cmpi slt, %scan3A_69, %sign3A_542 : i32
      %sign3A_544 = arith.extui %sign3A_543 : i1 to i32
      %sign3A_545 = arith.subi %sign3A_541, %sign3A_544 : i32
      %sign3A_546 = arith.constant 0 : i32
      %sign3A_547 = arith.cmpi sgt, %jit3A_539, %sign3A_546 : i32
      %sign3A_548 = arith.extui %sign3A_547 : i1 to i32
      %sign3A_549 = arith.constant 0 : i32
      %sign3A_550 = arith.cmpi slt, %jit3A_539, %sign3A_549 : i32
      %sign3A_551 = arith.extui %sign3A_550 : i1 to i32
      %sign3A_552 = arith.subi %sign3A_548, %sign3A_551 : i32
      %ne3A = arith.cmpi ne, %sign3A_545, %sign3A_552 : i32
      %rem3A = arith.remsi %scan3A_69, %jit3A_539 : i32
      %ne3A_553 = arith.constant 0 : i32
      %ne3A_554 = arith.cmpi ne, %rem3A, %ne3A_553 : i32
      %and3A = arith.andi %ne3A, %ne3A_554 : i1
      %sub3A = arith.constant 1 : i32
      %sub3A_555 = arith.subi %div3A, %sub3A : i32
      %select_n3A_556 = arith.select %and3A, %sub3A_555, %div3A : i32
      %mul3A_557 = arith.constant 16 : i32
      %mul3A_558 = arith.muli %select_n3A_556, %mul3A_557 : i32
      %multiple_of3A_559 = tpu.assume_multiple %mul3A_558, 16 : i32
      %jit3A_560 = arith.constant 16 : i32
      %eq3A_561 = arith.constant 0 : i32
      %eq3A_562 = arith.cmpi eq, %jit3A_560, %eq3A_561 : i32
      %jit3A_563 = arith.constant 1 : i32
      %select_n3A_564 = arith.select %eq3A_562, %jit3A_563, %jit3A_560 : i32
      %rem3A_565 = arith.remsi %scan3A_69, %select_n3A_564 : i32
      %ne3A_566 = arith.constant 0 : i32
      %ne3A_567 = arith.cmpi ne, %rem3A_565, %ne3A_566 : i32
      %lt3A = arith.constant 0 : i32
      %lt3A_568 = arith.cmpi slt, %rem3A_565, %lt3A : i32
      %lt3A_569 = arith.constant 0 : i32
      %lt3A_570 = arith.cmpi slt, %select_n3A_564, %lt3A_569 : i32
      %ne3A_571 = arith.xori %lt3A_568, %lt3A_570 : i1
      %and3A_572 = arith.andi %ne3A_571, %ne3A_567 : i1
      %add3A_573 = arith.addi %rem3A_565, %select_n3A_564 : i32
      %select_n3A_574 = arith.select %and3A_572, %add3A_573, %rem3A_565 : i32
      %get3A_575 = arith.index_cast %multiple_of3A_559 : i32 to index
      %get3A_576 = tpu.vector_load %arg11[%get3A_575] {strides = array<i32>} : memref<64xf32, #tpu.memory_space<vmem>>, vector<16xf32>,
      %eq3A_577 = vector.broadcast %select_n3A_574 : i32 to vector<16xi32>
      %eq3A_578 = arith.cmpi eq, %iota3A, %eq3A_577 : vector<16xi32>
      %broadcast_in_dim3A_579 = vector.broadcast %reduce_max3A_290 : f32 to vector<16xf32>
      %select_n3A_580 = arith.select %eq3A_578, %broadcast_in_dim3A_579, %get3A_576 : vector<16xi1>, vector<16xf32>
      %swap3A_581 = arith.index_cast %multiple_of3A_559 : i32 to index
      %swap3A_582 = tpu.vector_load %arg11[%swap3A_581] {strides = array<i32>} : memref<64xf32, #tpu.memory_space<vmem>>, vector<16xf32>,
      tpu.vector_store %arg11[%swap3A_581], %select_n3A_580 {strides = array<i32>} : memref<64xf32, #tpu.memory_space<vmem>>, vector<16xf32>,
      %jit3A_583 = arith.constant 16 : i32
      %div3A_584 = arith.divsi %scan3A_69, %jit3A_583 : i32
      %sign3A_585 = arith.constant 0 : i32
      %sign3A_586 = arith.cmpi sgt, %scan3A_69, %sign3A_585 : i32
      %sign3A_587 = arith.extui %sign3A_586 : i1 to i32
      %sign3A_588 = arith.constant 0 : i32
      %sign3A_589 = arith.cmpi slt, %scan3A_69, %sign3A_588 : i32
      %sign3A_590 = arith.extui %sign3A_589 : i1 to i32
      %sign3A_591 = arith.subi %sign3A_587, %sign3A_590 : i32
      %sign3A_592 = arith.constant 0 : i32
      %sign3A_593 = arith.cmpi sgt, %jit3A_583, %sign3A_592 : i32
      %sign3A_594 = arith.extui %sign3A_593 : i1 to i32
      %sign3A_595 = arith.constant 0 : i32
      %sign3A_596 = arith.cmpi slt, %jit3A_583, %sign3A_595 : i32
      %sign3A_597 = arith.extui %sign3A_596 : i1 to i32
      %sign3A_598 = arith.subi %sign3A_594, %sign3A_597 : i32
      %ne3A_599 = arith.cmpi ne, %sign3A_591, %sign3A_598 : i32
      %rem3A_600 = arith.remsi %scan3A_69, %jit3A_583 : i32
      %ne3A_601 = arith.constant 0 : i32
      %ne3A_602 = arith.cmpi ne, %rem3A_600, %ne3A_601 : i32
      %and3A_603 = arith.andi %ne3A_599, %ne3A_602 : i1
      %sub3A_604 = arith.constant 1 : i32
      %sub3A_605 = arith.subi %div3A_584, %sub3A_604 : i32
      %select_n3A_606 = arith.select %and3A_603, %sub3A_605, %div3A_584 : i32
      %mul3A_607 = arith.constant 16 : i32
      %mul3A_608 = arith.muli %select_n3A_606, %mul3A_607 : i32
      %multiple_of3A_609 = tpu.assume_multiple %mul3A_608, 16 : i32
      %jit3A_610 = arith.constant 16 : i32
      %eq3A_611 = arith.constant 0 : i32
      %eq3A_612 = arith.cmpi eq, %jit3A_610, %eq3A_611 : i32
      %jit3A_613 = arith.constant 1 : i32
      %select_n3A_614 = arith.select %eq3A_612, %jit3A_613, %jit3A_610 : i32
      %rem3A_615 = arith.remsi %scan3A_69, %select_n3A_614 : i32
      %ne3A_616 = arith.constant 0 : i32
      %ne3A_617 = arith.cmpi ne, %rem3A_615, %ne3A_616 : i32
      %lt3A_618 = arith.constant 0 : i32
      %lt3A_619 = arith.cmpi slt, %rem3A_615, %lt3A_618 : i32
      %lt3A_620 = arith.constant 0 : i32
      %lt3A_621 = arith.cmpi slt, %select_n3A_614, %lt3A_620 : i32
      %ne3A_622 = arith.xori %lt3A_619, %lt3A_621 : i1
      %and3A_623 = arith.andi %ne3A_622, %ne3A_617 : i1
      %add3A_624 = arith.addi %rem3A_615, %select_n3A_614 : i32
      %select_n3A_625 = arith.select %and3A_623, %add3A_624, %rem3A_615 : i32
      %get3A_626 = arith.index_cast %multiple_of3A_609 : i32 to index
      %get3A_627 = tpu.vector_load %arg12[%get3A_626] {strides = array<i32>} : memref<64xi32, #tpu.memory_space<vmem>>, vector<16xi32>,
      %eq3A_628 = vector.broadcast %select_n3A_625 : i32 to vector<16xi32>
      %eq3A_629 = arith.cmpi eq, %iota3A, %eq3A_628 : vector<16xi32>
      %broadcast_in_dim3A_630 = vector.broadcast %add3A_538 : i32 to vector<16xi32>
      %select_n3A_631 = arith.select %eq3A_629, %broadcast_in_dim3A_630, %get3A_627 : vector<16xi1>, vector<16xi32>
      %swap3A_632 = arith.index_cast %multiple_of3A_609 : i32 to index
      %swap3A_633 = tpu.vector_load %arg12[%swap3A_632] {strides = array<i32>} : memref<64xi32, #tpu.memory_space<vmem>>, vector<16xi32>,
      tpu.vector_store %arg12[%swap3A_632], %select_n3A_631 {strides = array<i32>} : memref<64xi32, #tpu.memory_space<vmem>>, vector<16xi32>,
      %mul3A_634 = arith.constant 16 : i32
      %mul3A_635 = arith.muli %mul3A_634, %reduce_min3A_532 : i32
      %add3A_636 = arith.addi %reduce_min3A_303, %mul3A_635 : i32
      %jit3A_637 = arith.constant 16 : i32
      %div3A_638 = arith.divsi %add3A_636, %jit3A_637 : i32
      %sign3A_639 = arith.constant 0 : i32
      %sign3A_640 = arith.cmpi sgt, %add3A_636, %sign3A_639 : i32
      %sign3A_641 = arith.extui %sign3A_640 : i1 to i32
      %sign3A_642 = arith.constant 0 : i32
      %sign3A_643 = arith.cmpi slt, %add3A_636, %sign3A_642 : i32
      %sign3A_644 = arith.extui %sign3A_643 : i1 to i32
      %sign3A_645 = arith.subi %sign3A_641, %sign3A_644 : i32
      %sign3A_646 = arith.constant 0 : i32
      %sign3A_647 = arith.cmpi sgt, %jit3A_637, %sign3A_646 : i32
      %sign3A_648 = arith.extui %sign3A_647 : i1 to i32
      %sign3A_649 = arith.constant 0 : i32
      %sign3A_650 = arith.cmpi slt, %jit3A_637, %sign3A_649 : i32
      %sign3A_651 = arith.extui %sign3A_650 : i1 to i32
      %sign3A_652 = arith.subi %sign3A_648, %sign3A_651 : i32
      %ne3A_653 = arith.cmpi ne, %sign3A_645, %sign3A_652 : i32
      %rem3A_654 = arith.remsi %add3A_636, %jit3A_637 : i32
      %ne3A_655 = arith.constant 0 : i32
      %ne3A_656 = arith.cmpi ne, %rem3A_654, %ne3A_655 : i32
      %and3A_657 = arith.andi %ne3A_653, %ne3A_656 : i1
      %sub3A_658 = arith.constant 1 : i32
      %sub3A_659 = arith.subi %div3A_638, %sub3A_658 : i32
      %select_n3A_660 = arith.select %and3A_657, %sub3A_659, %div3A_638 : i32
      %mul3A_661 = arith.constant 16 : i32
      %mul3A_662 = arith.muli %select_n3A_660, %mul3A_661 : i32
      %multiple_of3A_663 = tpu.assume_multiple %mul3A_662, 16 : i32
      %jit3A_664 = arith.constant 16 : i32
      %eq3A_665 = arith.constant 0 : i32
      %eq3A_666 = arith.cmpi eq, %jit3A_664, %eq3A_665 : i32
      %jit3A_667 = arith.constant 1 : i32
      %select_n3A_668 = arith.select %eq3A_666, %jit3A_667, %jit3A_664 : i32
      %rem3A_669 = arith.remsi %add3A_636, %select_n3A_668 : i32
      %ne3A_670 = arith.constant 0 : i32
      %ne3A_671 = arith.cmpi ne, %rem3A_669, %ne3A_670 : i32
      %lt3A_672 = arith.constant 0 : i32
      %lt3A_673 = arith.cmpi slt, %rem3A_669, %lt3A_672 : i32
      %lt3A_674 = arith.constant 0 : i32
      %lt3A_675 = arith.cmpi slt, %select_n3A_668, %lt3A_674 : i32
      %ne3A_676 = arith.xori %lt3A_673, %lt3A_675 : i1
      %and3A_677 = arith.andi %ne3A_676, %ne3A_671 : i1
      %add3A_678 = arith.addi %rem3A_669, %select_n3A_668 : i32
      %select_n3A_679 = arith.select %and3A_677, %add3A_678, %rem3A_669 : i32
      %get3A_680 = arith.index_cast %multiple_of3A_663 : i32 to index
      %get3A_681 = tpu.vector_load %arg10[%get3A_680] {strides = array<i32>} : memref<320xf32, #tpu.memory_space<vmem>>, vector<16xf32>,
      %eq3A_682 = vector.broadcast %select_n3A_679 : i32 to vector<16xi32>
      %eq3A_683 = arith.cmpi eq, %iota3A, %eq3A_682 : vector<16xi32>
      %jit3A_684 = arith.constant 0xFF800000 : f32
      %broadcast_in_dim3A_685 = vector.broadcast %jit3A_684 : f32 to vector<16xf32>
      %select_n3A_686 = arith.select %eq3A_683, %broadcast_in_dim3A_685, %get3A_681 : vector<16xi1>, vector<16xf32>
      %swap3A_687 = arith.index_cast %multiple_of3A_663 : i32 to index
      %swap3A_688 = tpu.vector_load %arg10[%swap3A_687] {strides = array<i32>} : memref<320xf32, #tpu.memory_space<vmem>>, vector<16xf32>,
      tpu.vector_store %arg10[%swap3A_687], %select_n3A_686 {strides = array<i32>} : memref<320xf32, #tpu.memory_space<vmem>>, vector<16xf32>,
      %get3A_689 = arith.constant 0 : index
      %get3A_690 = tpu.vector_load %arg10[%get3A_689] {strides = array<i32>} : memref<320xf32, #tpu.memory_space<vmem>>, vector<16xf32>,
      %get3A_691 = arith.constant 16 : index
      %get3A_692 = tpu.vector_load %arg10[%get3A_691] {strides = array<i32>} : memref<320xf32, #tpu.memory_space<vmem>>, vector<16xf32>,
      %max3A_693 = arith.maximumf %get3A_690, %get3A_692 : vector<16xf32>
      %get3A_694 = arith.constant 32 : index
      %get3A_695 = tpu.vector_load %arg10[%get3A_694] {strides = array<i32>} : memref<320xf32, #tpu.memory_space<vmem>>, vector<16xf32>,
      %max3A_696 = arith.maximumf %max3A_693, %get3A_695 : vector<16xf32>
      %get3A_697 = arith.constant 48 : index
      %get3A_698 = tpu.vector_load %arg10[%get3A_697] {strides = array<i32>} : memref<320xf32, #tpu.memory_space<vmem>>, vector<16xf32>,
      %max3A_699 = arith.maximumf %max3A_696, %get3A_698 : vector<16xf32>
      %get3A_700 = arith.constant 64 : index
      %get3A_701 = tpu.vector_load %arg10[%get3A_700] {strides = array<i32>} : memref<320xf32, #tpu.memory_space<vmem>>, vector<16xf32>,
      %max3A_702 = arith.maximumf %max3A_699, %get3A_701 : vector<16xf32>
      %get3A_703 = arith.constant 80 : index
      %get3A_704 = tpu.vector_load %arg10[%get3A_703] {strides = array<i32>} : memref<320xf32, #tpu.memory_space<vmem>>, vector<16xf32>,
      %max3A_705 = arith.maximumf %max3A_702, %get3A_704 : vector<16xf32>
      %get3A_706 = arith.constant 96 : index
      %get3A_707 = tpu.vector_load %arg10[%get3A_706] {strides = array<i32>} : memref<320xf32, #tpu.memory_space<vmem>>, vector<16xf32>,
      %max3A_708 = arith.maximumf %max3A_705, %get3A_707 : vector<16xf32>
      %get3A_709 = arith.constant 112 : index
      %get3A_710 = tpu.vector_load %arg10[%get3A_709] {strides = array<i32>} : memref<320xf32, #tpu.memory_space<vmem>>, vector<16xf32>,
      %max3A_711 = arith.maximumf %max3A_708, %get3A_710 : vector<16xf32>
      %get3A_712 = arith.constant 128 : index
      %get3A_713 = tpu.vector_load %arg10[%get3A_712] {strides = array<i32>} : memref<320xf32, #tpu.memory_space<vmem>>, vector<16xf32>,
      %max3A_714 = arith.maximumf %max3A_711, %get3A_713 : vector<16xf32>
      %get3A_715 = arith.constant 144 : index
      %get3A_716 = tpu.vector_load %arg10[%get3A_715] {strides = array<i32>} : memref<320xf32, #tpu.memory_space<vmem>>, vector<16xf32>,
      %max3A_717 = arith.maximumf %max3A_714, %get3A_716 : vector<16xf32>
      %get3A_718 = arith.constant 160 : index
      %get3A_719 = tpu.vector_load %arg10[%get3A_718] {strides = array<i32>} : memref<320xf32, #tpu.memory_space<vmem>>, vector<16xf32>,
      %max3A_720 = arith.maximumf %max3A_717, %get3A_719 : vector<16xf32>
      %get3A_721 = arith.constant 176 : index
      %get3A_722 = tpu.vector_load %arg10[%get3A_721] {strides = array<i32>} : memref<320xf32, #tpu.memory_space<vmem>>, vector<16xf32>,
      %max3A_723 = arith.maximumf %max3A_720, %get3A_722 : vector<16xf32>
      %get3A_724 = arith.constant 192 : index
      %get3A_725 = tpu.vector_load %arg10[%get3A_724] {strides = array<i32>} : memref<320xf32, #tpu.memory_space<vmem>>, vector<16xf32>,
      %max3A_726 = arith.maximumf %max3A_723, %get3A_725 : vector<16xf32>
      %get3A_727 = arith.constant 208 : index
      %get3A_728 = tpu.vector_load %arg10[%get3A_727] {strides = array<i32>} : memref<320xf32, #tpu.memory_space<vmem>>, vector<16xf32>,
      %max3A_729 = arith.maximumf %max3A_726, %get3A_728 : vector<16xf32>
      %get3A_730 = arith.constant 224 : index
      %get3A_731 = tpu.vector_load %arg10[%get3A_730] {strides = array<i32>} : memref<320xf32, #tpu.memory_space<vmem>>, vector<16xf32>,
      %max3A_732 = arith.maximumf %max3A_729, %get3A_731 : vector<16xf32>
      %get3A_733 = arith.constant 240 : index
      %get3A_734 = tpu.vector_load %arg10[%get3A_733] {strides = array<i32>} : memref<320xf32, #tpu.memory_space<vmem>>, vector<16xf32>,
      %max3A_735 = arith.maximumf %max3A_732, %get3A_734 : vector<16xf32>
      %get3A_736 = arith.constant 256 : index
      %get3A_737 = tpu.vector_load %arg10[%get3A_736] {strides = array<i32>} : memref<320xf32, #tpu.memory_space<vmem>>, vector<16xf32>,
      %max3A_738 = arith.maximumf %max3A_735, %get3A_737 : vector<16xf32>
      %get3A_739 = arith.constant 272 : index
      %get3A_740 = tpu.vector_load %arg10[%get3A_739] {strides = array<i32>} : memref<320xf32, #tpu.memory_space<vmem>>, vector<16xf32>,
      %max3A_741 = arith.maximumf %max3A_738, %get3A_740 : vector<16xf32>
      %get3A_742 = arith.constant 288 : index
      %get3A_743 = tpu.vector_load %arg10[%get3A_742] {strides = array<i32>} : memref<320xf32, #tpu.memory_space<vmem>>, vector<16xf32>,
      %max3A_744 = arith.maximumf %max3A_741, %get3A_743 : vector<16xf32>
      %get3A_745 = arith.constant 304 : index
      %get3A_746 = tpu.vector_load %arg10[%get3A_745] {strides = array<i32>} : memref<320xf32, #tpu.memory_space<vmem>>, vector<16xf32>,
      %max3A_747 = arith.maximumf %max3A_744, %get3A_746 : vector<16xf32>
      %mul3A_748 = arith.constant 16 : i32
      %mul3A_749 = arith.muli %add3A_281, %mul3A_748 : i32
      %multiple_of3A_750 = tpu.assume_multiple %mul3A_749, 16 : i32
      %swap3A_751 = arith.index_cast %multiple_of3A_750 : i32 to index
      %swap3A_752 = tpu.vector_load %arg7[%swap3A_751] {strides = array<i32>} : memref<50000xf32, #tpu.memory_space<vmem>>, vector<16xf32>,
      tpu.vector_store %arg7[%swap3A_751], %max3A_747 {strides = array<i32>} : memref<50000xf32, #tpu.memory_space<vmem>>, vector<16xf32>,
      %reduce_max3A_753 = arith.constant true
      %reduce_max3A_754 = vector.broadcast %reduce_max3A_753 : i1 to vector<16xi1>
      %reduce_max3A_755 = tpu.scan <max>, %max3A_747 masked %reduce_max3A_754 : vector<16xf32>, vector<16xi1> -> vector<16xf32>
      %reduce_max3A_756 = vector.extract %reduce_max3A_755[15] : f32 from vector<16xf32>
      %jit3A_757 = arith.constant 16 : i32
      %div3A_758 = arith.divsi %add3A_281, %jit3A_757 : i32
      %sign3A_759 = arith.constant 0 : i32
      %sign3A_760 = arith.cmpi sgt, %add3A_281, %sign3A_759 : i32
      %sign3A_761 = arith.extui %sign3A_760 : i1 to i32
      %sign3A_762 = arith.constant 0 : i32
      %sign3A_763 = arith.cmpi slt, %add3A_281, %sign3A_762 : i32
      %sign3A_764 = arith.extui %sign3A_763 : i1 to i32
      %sign3A_765 = arith.subi %sign3A_761, %sign3A_764 : i32
      %sign3A_766 = arith.constant 0 : i32
      %sign3A_767 = arith.cmpi sgt, %jit3A_757, %sign3A_766 : i32
      %sign3A_768 = arith.extui %sign3A_767 : i1 to i32
      %sign3A_769 = arith.constant 0 : i32
      %sign3A_770 = arith.cmpi slt, %jit3A_757, %sign3A_769 : i32
      %sign3A_771 = arith.extui %sign3A_770 : i1 to i32
      %sign3A_772 = arith.subi %sign3A_768, %sign3A_771 : i32
      %ne3A_773 = arith.cmpi ne, %sign3A_765, %sign3A_772 : i32
      %rem3A_774 = arith.remsi %add3A_281, %jit3A_757 : i32
      %ne3A_775 = arith.constant 0 : i32
      %ne3A_776 = arith.cmpi ne, %rem3A_774, %ne3A_775 : i32
      %and3A_777 = arith.andi %ne3A_773, %ne3A_776 : i1
      %sub3A_778 = arith.constant 1 : i32
      %sub3A_779 = arith.subi %div3A_758, %sub3A_778 : i32
      %select_n3A_780 = arith.select %and3A_777, %sub3A_779, %div3A_758 : i32
      %mul3A_781 = arith.constant 16 : i32
      %mul3A_782 = arith.muli %select_n3A_780, %mul3A_781 : i32
      %multiple_of3A_783 = tpu.assume_multiple %mul3A_782, 16 : i32
      %jit3A_784 = arith.constant 16 : i32
      %eq3A_785 = arith.constant 0 : i32
      %eq3A_786 = arith.cmpi eq, %jit3A_784, %eq3A_785 : i32
      %jit3A_787 = arith.constant 1 : i32
      %select_n3A_788 = arith.select %eq3A_786, %jit3A_787, %jit3A_784 : i32
      %rem3A_789 = arith.remsi %add3A_281, %select_n3A_788 : i32
      %ne3A_790 = arith.constant 0 : i32
      %ne3A_791 = arith.cmpi ne, %rem3A_789, %ne3A_790 : i32
      %lt3A_792 = arith.constant 0 : i32
      %lt3A_793 = arith.cmpi slt, %rem3A_789, %lt3A_792 : i32
      %lt3A_794 = arith.constant 0 : i32
      %lt3A_795 = arith.cmpi slt, %select_n3A_788, %lt3A_794 : i32
      %ne3A_796 = arith.xori %lt3A_793, %lt3A_795 : i1
      %and3A_797 = arith.andi %ne3A_796, %ne3A_791 : i1
      %add3A_798 = arith.addi %rem3A_789, %select_n3A_788 : i32
      %select_n3A_799 = arith.select %and3A_797, %add3A_798, %rem3A_789 : i32
      %get3A_800 = arith.index_cast %multiple_of3A_783 : i32 to index
      %get3A_801 = tpu.vector_load %arg8[%get3A_800] {strides = array<i32>} : memref<3328xf32, #tpu.memory_space<vmem>>, vector<16xf32>,
      %eq3A_802 = vector.broadcast %select_n3A_799 : i32 to vector<16xi32>
      %eq3A_803 = arith.cmpi eq, %iota3A, %eq3A_802 : vector<16xi32>
      %broadcast_in_dim3A_804 = vector.broadcast %reduce_max3A_756 : f32 to vector<16xf32>
      %select_n3A_805 = arith.select %eq3A_803, %broadcast_in_dim3A_804, %get3A_801 : vector<16xi1>, vector<16xf32>
      %swap3A_806 = arith.index_cast %multiple_of3A_783 : i32 to index
      %swap3A_807 = tpu.vector_load %arg8[%swap3A_806] {strides = array<i32>} : memref<3328xf32, #tpu.memory_space<vmem>>, vector<16xf32>,
      tpu.vector_store %arg8[%swap3A_806], %select_n3A_805 {strides = array<i32>} : memref<3328xf32, #tpu.memory_space<vmem>>, vector<16xf32>,
      %mul3A_808 = arith.constant 16 : i32
      %mul3A_809 = arith.muli %reduce_min3A_257, %mul3A_808 : i32
      %multiple_of3A_810 = tpu.assume_multiple %mul3A_809, 16 : i32
      %get3A_811 = arith.index_cast %multiple_of3A_810 : i32 to index
      %get3A_812 = tpu.vector_load %arg8[%get3A_811] {strides = array<i32>} : memref<3328xf32, #tpu.memory_space<vmem>>, vector<16xf32>,
      %reduce_max3A_813 = arith.constant true
      %reduce_max3A_814 = vector.broadcast %reduce_max3A_813 : i1 to vector<16xi1>
      %reduce_max3A_815 = tpu.scan <max>, %get3A_812 masked %reduce_max3A_814 : vector<16xf32>, vector<16xi1> -> vector<16xf32>
      %reduce_max3A_816 = vector.extract %reduce_max3A_815[15] : f32 from vector<16xf32>
      %jit3A_817 = arith.constant 16 : i32
      %div3A_818 = arith.divsi %reduce_min3A_257, %jit3A_817 : i32
      %sign3A_819 = arith.constant 0 : i32
      %sign3A_820 = arith.cmpi sgt, %reduce_min3A_257, %sign3A_819 : i32
      %sign3A_821 = arith.extui %sign3A_820 : i1 to i32
      %sign3A_822 = arith.constant 0 : i32
      %sign3A_823 = arith.cmpi slt, %reduce_min3A_257, %sign3A_822 : i32
      %sign3A_824 = arith.extui %sign3A_823 : i1 to i32
      %sign3A_825 = arith.subi %sign3A_821, %sign3A_824 : i32
      %sign3A_826 = arith.constant 0 : i32
      %sign3A_827 = arith.cmpi sgt, %jit3A_817, %sign3A_826 : i32
      %sign3A_828 = arith.extui %sign3A_827 : i1 to i32
      %sign3A_829 = arith.constant 0 : i32
      %sign3A_830 = arith.cmpi slt, %jit3A_817, %sign3A_829 : i32
      %sign3A_831 = arith.extui %sign3A_830 : i1 to i32
      %sign3A_832 = arith.subi %sign3A_828, %sign3A_831 : i32
      %ne3A_833 = arith.cmpi ne, %sign3A_825, %sign3A_832 : i32
      %rem3A_834 = arith.remsi %reduce_min3A_257, %jit3A_817 : i32
      %ne3A_835 = arith.constant 0 : i32
      %ne3A_836 = arith.cmpi ne, %rem3A_834, %ne3A_835 : i32
      %and3A_837 = arith.andi %ne3A_833, %ne3A_836 : i1
      %sub3A_838 = arith.constant 1 : i32
      %sub3A_839 = arith.subi %div3A_818, %sub3A_838 : i32
      %select_n3A_840 = arith.select %and3A_837, %sub3A_839, %div3A_818 : i32
      %mul3A_841 = arith.constant 16 : i32
      %mul3A_842 = arith.muli %select_n3A_840, %mul3A_841 : i32
      %multiple_of3A_843 = tpu.assume_multiple %mul3A_842, 16 : i32
      %jit3A_844 = arith.constant 16 : i32
      %eq3A_845 = arith.constant 0 : i32
      %eq3A_846 = arith.cmpi eq, %jit3A_844, %eq3A_845 : i32
      %jit3A_847 = arith.constant 1 : i32
      %select_n3A_848 = arith.select %eq3A_846, %jit3A_847, %jit3A_844 : i32
      %rem3A_849 = arith.remsi %reduce_min3A_257, %select_n3A_848 : i32
      %ne3A_850 = arith.constant 0 : i32
      %ne3A_851 = arith.cmpi ne, %rem3A_849, %ne3A_850 : i32
      %lt3A_852 = arith.constant 0 : i32
      %lt3A_853 = arith.cmpi slt, %rem3A_849, %lt3A_852 : i32
      %lt3A_854 = arith.constant 0 : i32
      %lt3A_855 = arith.cmpi slt, %select_n3A_848, %lt3A_854 : i32
      %ne3A_856 = arith.xori %lt3A_853, %lt3A_855 : i1
      %and3A_857 = arith.andi %ne3A_856, %ne3A_851 : i1
      %add3A_858 = arith.addi %rem3A_849, %select_n3A_848 : i32
      %select_n3A_859 = arith.select %and3A_857, %add3A_858, %rem3A_849 : i32
      %get3A_860 = arith.index_cast %multiple_of3A_843 : i32 to index
      %get3A_861 = tpu.vector_load %arg9[%get3A_860] {strides = array<i32>} : memref<208xf32, #tpu.memory_space<vmem>>, vector<16xf32>,
      %eq3A_862 = vector.broadcast %select_n3A_859 : i32 to vector<16xi32>
      %eq3A_863 = arith.cmpi eq, %iota3A, %eq3A_862 : vector<16xi32>
      %broadcast_in_dim3A_864 = vector.broadcast %reduce_max3A_816 : f32 to vector<16xf32>
      %select_n3A_865 = arith.select %eq3A_863, %broadcast_in_dim3A_864, %get3A_861 : vector<16xi1>, vector<16xf32>
      %swap3A_866 = arith.index_cast %multiple_of3A_843 : i32 to index
      %swap3A_867 = tpu.vector_load %arg9[%swap3A_866] {strides = array<i32>} : memref<208xf32, #tpu.memory_space<vmem>>, vector<16xf32>,
      tpu.vector_store %arg9[%swap3A_866], %select_n3A_865 {strides = array<i32>} : memref<208xf32, #tpu.memory_space<vmem>>, vector<16xf32>,
      %scan3A_868 = arith.constant 0 : i32
      scf.yield %scan3A_868 : i32
    }
    %scan3A_68 = arith.constant 64 : i32
    "tpu.region"() ({
      %run_scoped3A = tpu.sem_alloc : memref<!tpu.dma_semaphore, #tpu.memory_space<semaphore_mem>>
      %dma_start3A_69 = arith.constant 0 : i32
      %dma_start3A_70 = tpu.memref_slice %arg3[%add3A, %dma_start3A_69] : memref<32x64xf32, #tpu.memory_space<hbm>> -> memref<1x64xf32, #tpu.memory_space<hbm>>
      %dma_start3A_71 = tpu.memref_squeeze %dma_start3A_70 : memref<1x64xf32, #tpu.memory_space<hbm>> -> memref<64xf32, #tpu.memory_space<hbm>>
      %dma_start3A_72 = arith.constant 0 : i32
      %dma_start3A_73 = tpu.memref_slice %arg3[%add3A, %dma_start3A_72] : memref<32x64xf32, #tpu.memory_space<hbm>> -> memref<1x64xf32, #tpu.memory_space<hbm>>
      %dma_start3A_74 = tpu.memref_squeeze %dma_start3A_73 : memref<1x64xf32, #tpu.memory_space<hbm>> -> memref<64xf32, #tpu.memory_space<hbm>>
      tpu.enqueue_dma source(%arg11 : memref<64xf32, #tpu.memory_space<vmem>>) target(%dma_start3A_74 : memref<64xf32, #tpu.memory_space<hbm>>) target_semaphore(%run_scoped3A : memref<!tpu.dma_semaphore, #tpu.memory_space<semaphore_mem>>)
      %dma_wait3A_75 = arith.constant 0 : i32
      %dma_wait3A_76 = tpu.memref_slice %arg3[%add3A, %dma_wait3A_75] : memref<32x64xf32, #tpu.memory_space<hbm>> -> memref<1x64xf32, #tpu.memory_space<hbm>>
      %dma_wait3A_77 = tpu.memref_squeeze %dma_wait3A_76 : memref<1x64xf32, #tpu.memory_space<hbm>> -> memref<64xf32, #tpu.memory_space<hbm>>
      %dma_wait3A_78 = arith.constant 0 : i32
      %dma_wait3A_79 = tpu.memref_slice %arg3[%add3A, %dma_wait3A_78] : memref<32x64xf32, #tpu.memory_space<hbm>> -> memref<1x64xf32, #tpu.memory_space<hbm>>
      %dma_wait3A_80 = tpu.memref_squeeze %dma_wait3A_79 : memref<1x64xf32, #tpu.memory_space<hbm>> -> memref<64xf32, #tpu.memory_space<hbm>>
      tpu.wait_dma2 semaphore(%run_scoped3A : memref<!tpu.dma_semaphore, #tpu.memory_space<semaphore_mem>>) src(%arg11 : memref<64xf32, #tpu.memory_space<vmem>>) dst(%dma_wait3A_80 : memref<64xf32, #tpu.memory_space<hbm>>)
      tpu.yield
    }) : () -> ()
    "tpu.region"() ({
      %run_scoped3A = tpu.sem_alloc : memref<!tpu.dma_semaphore, #tpu.memory_space<semaphore_mem>>
      %dma_start3A_69 = arith.constant 0 : i32
      %dma_start3A_70 = tpu.memref_slice %arg4[%add3A, %dma_start3A_69] : memref<32x64xi32, #tpu.memory_space<hbm>> -> memref<1x64xi32, #tpu.memory_space<hbm>>
      %dma_start3A_71 = tpu.memref_squeeze %dma_start3A_70 : memref<1x64xi32, #tpu.memory_space<hbm>> -> memref<64xi32, #tpu.memory_space<hbm>>
      %dma_start3A_72 = arith.constant 0 : i32
      %dma_start3A_73 = tpu.memref_slice %arg4[%add3A, %dma_start3A_72] : memref<32x64xi32, #tpu.memory_space<hbm>> -> memref<1x64xi32, #tpu.memory_space<hbm>>
      %dma_start3A_74 = tpu.memref_squeeze %dma_start3A_73 : memref<1x64xi32, #tpu.memory_space<hbm>> -> memref<64xi32, #tpu.memory_space<hbm>>
      tpu.enqueue_dma source(%arg12 : memref<64xi32, #tpu.memory_space<vmem>>) target(%dma_start3A_74 : memref<64xi32, #tpu.memory_space<hbm>>) target_semaphore(%run_scoped3A : memref<!tpu.dma_semaphore, #tpu.memory_space<semaphore_mem>>)
      %dma_wait3A_75 = arith.constant 0 : i32
      %dma_wait3A_76 = tpu.memref_slice %arg4[%add3A, %dma_wait3A_75] : memref<32x64xi32, #tpu.memory_space<hbm>> -> memref<1x64xi32, #tpu.memory_space<hbm>>
      %dma_wait3A_77 = tpu.memref_squeeze %dma_wait3A_76 : memref<1x64xi32, #tpu.memory_space<hbm>> -> memref<64xi32, #tpu.memory_space<hbm>>
      %dma_wait3A_78 = arith.constant 0 : i32
      %dma_wait3A_79 = tpu.memref_slice %arg4[%add3A, %dma_wait3A_78] : memref<32x64xi32, #tpu.memory_space<hbm>> -> memref<1x64xi32, #tpu.memory_space<hbm>>
      %dma_wait3A_80 = tpu.memref_squeeze %dma_wait3A_79 : memref<1x64xi32, #tpu.memory_space<hbm>> -> memref<64xi32, #tpu.memory_space<hbm>>
      tpu.wait_dma2 semaphore(%run_scoped3A : memref<!tpu.dma_semaphore, #tpu.memory_space<semaphore_mem>>) src(%arg12 : memref<64xi32, #tpu.memory_space<vmem>>) dst(%dma_wait3A_80 : memref<64xi32, #tpu.memory_space<hbm>>)
      tpu.yield
    }) : () -> ()
    return
  }
}

</mosaic_0001>

<sc_bundles>
// kernel: _sc_topk.3.cloned.1.call-start
scs
__scs_entry_jumppad:
0x0: {  	(pc) =	sbr.rel $0x88, $3  }
0x1: {  	(tag) =	ssettag $0x0;
	lr =	simm.s32 $0x1  }
0x2: {  	[smem:$0x3FA0] =	sst lr;
	_ =	strace $0xD0000000  }
0x3: {  	_ = 	snop  }
0x4: {  	_ = 	snop  }
0x5: {  	_ = 	snop  }
0x6: {  	_ = 	snop  }
0x7: {  	_ = 	snop  }
__scs_overlays_trampoline_lowered:
0x8: {  	[smem:$0x3FAF] =	sst s0  }
0x9: {  	[smem:$0x3FB0] =	sst s1  }
0xa: {  	[smem:$0x3FB1] =	sst s2  }
0xb: {  	[smem:$0x3FB2] =	sst s3  }
0xc: {  	[smem:$0x3FB3] =	sst s4  }
0xd: {  	[smem:$0x3FB4] =	sst s5  }
0xe: {  	[smem:$0x3FB5] =	sst s6  }
0xf: {  	[smem:$0x3FB6] =	sst s7  }
0x10: {  	[smem:$0x3FB7] =	sst s8  }
0x11: {  	[smem:$0x3FB8] =	sst s9;
	s0 =	simm.s32 @!p0 $0x0  }
0x12: {  	s1 =	sld [smem:$0x3F9E];
	s0 =	simm.s32 @p0 $0x1  }
0x13: {  	[smem:$0x3FB9] =	sst s0;
	s0 =	simm.s32 @!p1 $0x0  }
0x14: {  	s2 =	sld [smem:$0x3F9D];
	s0 =	simm.s32 @p1 $0x1  }
0x15: {  	[smem:$0x3FBA] =	sst s0;
	s0 =	simm.s32 @!p2 $0x0  }
0x16: {  	s3 =	sld [smem:$0x3FDB];
	s0 =	simm.s32 @p2 $0x1  }
0x17: {  	s4 =	simm.s32 $0x1BF5;
	[smem:$0x3FBC] =	sst s0  }
0x18: {  	s0 =	sld [smem:$0x3F9F];
	_ =	swait.ge [sflag:s4], $0x0  }
0x19: {  	s7 =	sld [smem:$0x3FA0]  }
0x1a: {  	s8 =	sadd.s32 $0xFFFFE003, lr  }
0x1b: {  	s9 =	sadd.s32 $0xFFFFFEF7, lr;
	s5 =	simm.s32 $0xFFFFFFFF;
	p2 =	slt.u32 s8, $0xFFFFF086  }
0x1c: {  	p1 =	slt.u32 s9, $0xF7A;
	s5 =	simm.s32 @!p2 $0x0  }
0x1d: {  	s5 =	simm.s32 @p1 $0x1;
	p0 =	seq.s32 s7, s2  }
0x1e: {  	s7 =	smul.u32 @!p0 $0xF7A, s2;
	p2 =	seq.s32 @!p0 s5, $0x0  }
0x1f: {  	s9 =	smul.u32 $0xF7A, s1;
	s8 =	simm.s32 @!p0 $0x1BF5;
	p2 =	por !p2, p0  }
0x20: {  	[sflag:s8] =	ssyncset.s32 @!p0 $0xFFFFF086;
	s6 =	sadd.s32 @!p0 s3, s7;
	s7 =	simm.s32 @!p0 $0x108  }
0x21: {  	s3 =	sadd.s32 s3, s9;
	s6 =	sadd.s32 @!p0 $0x88, s6;
	s7 =	simm.s32 @p2 $0x1082  }
0x22: {  	[simem:s7], [sflag:s8] =	dma.local @!p0 [hbm:s6], $0xF7A  }
0x23: {  	s9 =	sor.u32 $0xD0000000, s2;
	s6 =	simm.s32 $0x108;
	_ =	swait.ge @!p0 [sflag:s8], $0x0  }
0x24: {  	s3 =	sadd.s32 $0x88, s3;
	s6 =	simm.s32 @!p1 $0x1082;
	[sflag:s4] =	ssyncset.s32 $0xFFFFF086  }
0x25: {  	[simem:s6], [sflag:s4] =	dma.local [hbm:s3], $0xF7A  }
0x26: {  	[smem:$0x3FA0] =	sst s1;
	(tag) =	ssettag s2;
	_ =	strace s9  }
0x27: {  	s1 =	sld [smem:$0x3FB0]  }
0x28: {  	s2 =	sld [smem:$0x3FB1]  }
0x29: {  	s4 =	sld [smem:$0x3FB3]  }
0x2a: {  	p0 =	seq.s32 s5, $0x0;
	s5 =	sld [smem:$0x3FB4]  }
0x2b: {  	s6 =	sld [smem:$0x3FB5]  }
0x2c: {  	s7 =	sld [smem:$0x3FB6]  }
0x2d: {  	s3 =	simm.s32 $0x108;
	s8 =	sld [smem:$0x3FB7]  }
0x2e: {  	s3 =	simm.s32 @!p0 $0x1082;
	s9 =	sld [smem:$0x3FB8]  }
0x2f: {  	lr =	sadd.s32 s0, s3;
	s0 =	sld [smem:$0x3FAF]  }
0x30: {  	s3 =	sld [smem:$0x3FB2]  }
0x31: {  	[smem:$0x3FBB] =	sst s10  }
0x32: {  	s10 =	sld [smem:$0x3FB9];
	_ =	sdelay $0x3  }
0x33: {  	p0 =	seq.s32 s10, $0x1;
	s10 =	sld [smem:$0x3FBB];
	_ =	sdelay $0x3  }
0x34: {  	[smem:$0x3FBB] =	sst s10  }
0x35: {  	s10 =	sld [smem:$0x3FBA];
	_ =	sdelay $0x3  }
0x36: {  	p1 =	seq.s32 s10, $0x1;
	s10 =	sld [smem:$0x3FBB];
	_ =	sdelay $0x3  }
0x37: {  	[smem:$0x3FBB] =	sst s10  }
0x38: {  	s10 =	sld [smem:$0x3FBC]  }
0x39: {  	_ = 	snop;
	(pc) =	sbr.ind lr, $3  }
0x3a: {  	_ = 	snop  }
0x3b: {  	_ = 	snop  }
0x3c: {  	p2 =	seq.s32 s10, $0x1;
	s10 =	sld [smem:$0x3FBB]  }
0x3d: {  	_ =	shalt  }
0x3e: {  	_ =	shalt  }
0x3f: {  	_ =	shalt  }
0x40: {  	_ =	shalt  }
0x41: {  	_ =	shalt  }
0x42: {  	_ =	shalt  }
0x43: {  	_ =	shalt  }
0x44: {  	_ =	shalt  }
0x45: {  	_ =	shalt  }
0x46: {  	_ =	shalt  }
0x47: {  	_ =	shalt  }
0x48: {  	_ =	shalt  }
0x49: {  	_ =	shalt  }
0x4a: {  	_ =	shalt  }
0x4b: {  	_ =	shalt  }
0x4c: {  	_ =	shalt  }
0x4d: {  	_ =	shalt  }
0x4e: {  	_ =	shalt  }
0x4f: {  	_ =	shalt  }
0x50: {  	_ =	shalt  }
0x51: {  	_ =	shalt  }
0x52: {  	_ =	shalt  }
0x53: {  	_ =	shalt  }
0x54: {  	_ =	shalt  }
0x55: {  	_ =	shalt  }
0x56: {  	_ =	shalt  }
0x57: {  	_ =	shalt  }
0x58: {  	_ =	shalt  }
0x59: {  	_ =	shalt  }
0x5a: {  	_ =	shalt  }
0x5b: {  	_ =	shalt  }
0x5c: {  	_ =	shalt  }
0x5d: {  	_ =	shalt  }
0x5e: {  	_ =	shalt  }
0x5f: {  	_ =	shalt  }
0x60: {  	_ =	shalt  }
0x61: {  	_ =	shalt  }
0x62: {  	_ =	shalt  }
0x63: {  	_ =	shalt  }
0x64: {  	_ =	shalt  }
0x65: {  	_ =	shalt  }
0x66: {  	_ =	shalt  }
0x67: {  	_ =	shalt  }
0x68: {  	_ =	shalt  }
0x69: {  	_ =	shalt  }
0x6a: {  	_ =	shalt  }
0x6b: {  	_ =	shalt  }
0x6c: {  	_ =	shalt  }
0x6d: {  	_ =	shalt  }
0x6e: {  	_ =	shalt  }
0x6f: {  	_ =	shalt  }
0x70: {  	_ =	shalt  }
0x71: {  	_ =	shalt  }
0x72: {  	_ =	shalt  }
0x73: {  	_ =	shalt  }
0x74: {  	_ =	shalt  }
0x75: {  	_ =	shalt  }
0x76: {  	_ =	shalt  }
0x77: {  	_ =	shalt  }
0x78: {  	_ =	shalt  }
0x79: {  	_ =	shalt  }
0x7a: {  	_ =	shalt  }
0x7b: {  	_ =	shalt  }
0x7c: {  	_ =	shalt  }
0x7d: {  	_ =	shalt  }
0x7e: {  	_ =	shalt  }
0x7f: {  	_ =	shalt  }
0x80: {  	_ =	shalt  }
0x81: {  	_ =	shalt  }
0x82: {  	_ =	shalt  }
0x83: {  	_ =	shalt  }
0x84: {  	_ =	shalt  }
0x85: {  	_ =	shalt  }
0x86: {  	_ =	shalt  }
0x87: {  	_ =	shalt  }
.Lfunc_end0:
.L_simem_size_0:
called_computation_lowered:
.L_overlay_start_0:
0x88: {  	s2 =	sld [smem:$0x3FD9]  }
0x89: {  	s3 =	sld [smem:$0x3FFE];
	_ =	sdelay $0x1  }
0x8a: {  	s1 =	srdreg.scid  }
0x8b: {  	s0 =	sand.u32 $0x1, s1  }
0x8c: {  	s14 =	sshll.u32 s0, $0xA;
	s2 =	sadd.s32 s3, s2  }
0x8d: {  	s2 =	sadd.s32 s2, s14  }
0x8e: {  	[smem:$0x3FC7] =	sst s2  }
0x8f: {  	_ = 	snop  }
0x90: {  	s2 =	sld [smem:$0x3FD0];
	_ =	sdelay $0x2  }
0x91: {  	s4 =	simm.s32 $0xA;
	s5 =	simm.s32 $0x10;
	s15 =	sld [smem:$0x3FC9]  }
0x92: {  	[smem:s5], [sflag:s4] =	dma.local [hbm:s2], $0x1  }
0x93: {  	_ =	swait.eq [sflag:s4], $0x1  }
0x94: {  	[sflag:s4] =	ssyncset.done $0x0  }
0x95: {  	[sflag:s4] =	ssyncadd.s32 $0xFFFFFFFF  }
0x96: {  	s16 =	sld [smem:$0x10];
	(tm) =	ssettm $0x1  }
0x97: {  	s17 =	sld [smem:$0x3FFB];
	_ =	sdelay $0x3  }
0x98: {  	_ =	strace s17  }
0x99: {  	s4 =	sld [smem:$0x3FFC];
	_ =	sdelay $0x3  }
0x9a: {  	_ =	strace s4  }
0x9b: {  	s4 =	sld [smem:$0x3FFD];
	_ =	sdelay $0x3  }
0x9c: {  	_ =	strace s4  }
0x9d: {  	_ =	strace $0x8FFFFFFF  }
0x9e: {  	s18 =	sld [smem:$0x3FDB];
	_ =	sdelay $0x1  }
0x9f: {  	s19 =	simm.s32 $_scs_section_size  }
0xa0: {  	s6 =	simm.s32 $_size__tile_overlayer_lowered;
	s7 =	simm.s32 $_tile_overlayer_lowered  }
0xa1: {  	s22 =	simm.s32 $0x1BFF;
	s21 =	sshll.u32 s7, $0x1;
	s4 =	sadd.s32 s19, s18  }
0xa2: {  	s8 =	simm.s32 $0x0;
	s20 =	sshll.u32 s6, $0x1;
	s6 =	sadd.s32 s21, s4  }
0xa3: {  	[timem:s8], [sflag:s22] =	dma.local [hbm:s6], s20  }
0xa4: {  	_ =	swait.ge [sflag:s22], s20  }
0xa5: {  	s5 =	ssub.s32 $0x0, s20;
	[sflag:s22] =	ssyncset.done $0x0  }
0xa6: {  	[sflag:s22] =	ssyncadd.s32 s5;
	_ =	sdelay $0x1  }
0xa7: {  	s23 =	simm.s32 $0x1B8B  }
0xa8: {  	_ =	swait.ge [sflag:s23], $0x1  }
0xa9: {  	[sflag:s23] =	ssyncset.done $0x0  }
0xaa: {  	s25 =	simm.s32 $0x1B8E;
	s24 =	sld [smem:$0x3FFE];
	[sflag:s23] =	ssyncadd.s32 $0xFFFFFFFF  }
0xab: {  	s26 =	simm.s32 $execute0_lowered;
	[smem:$0x3FD2] =	sst s25  }
0xac: {  	s6 =	sshll.u32 s26, $0x1;
	_ =	strace $0x80000046;
	[dreg:$0x1] =	wrdreg $0xFFFFFFFF  }
0xad: {  	s28 =	simm.s32 $_size_execute0_lowered;
	s4 =	sadd.s32 s4, s6;
	[dreg:$0x0] =	wrdreg $0x0  }
0xae: {  	s6 =	sshll.u32 s28, $0x1;
	[dreg:$0x2] =	wrdreg s4  }
0xaf: {  	[dreg:$0x3] =	wrdreg s6  }
0xb0: {  	[dreg:$0x4] =	wrdreg $0xC0  }
0xb1: {  	_ =	task [dreg:s8], $0x5FFFF  }
0xb2: {  	[dreg:$0x1] =	wrdreg $0xFFFFFFFF  }
0xb3: {  	[dreg:$0x0] =	wrdreg $0x60  }
0xb4: {  	[dreg:$0x2] =	wrdreg s15  }
0xb5: {  	[dreg:$0x3] =	wrdreg s24  }
0xb6: {  	[dreg:$0x4] =	wrdreg s16  }
0xb7: {  	[dreg:$0x5] =	wrdreg $0x9  }
0xb8: {  	_ =	task.clear_ibuf [dreg:s8], $0x6FFFF;
	_ =	strace $0x90000046  }
0xb9: {  	s29 =	simm.s32 $0x9;
	_ =	strace $0x80000048  }
0xba: {  	_ =	swait.ge [sflag:s29], $0x1  }
0xbb: {  	[sflag:s29] =	ssyncadd.s32 $0xFFFFFFFF  }
0xbc: {  	_ =	strace $0x90000048  }
0xbd: {  	_ =	sfence  }
0xbe: {  	s30 =	sld [smem:$0x0];
	_ =	sdelay $0x2  }
0xbf: {  	s31 =	sshll.u32 s1, $0xD;
	s1 =	sshrl.u32 s1, $0x2  }
0xc0: {  	s3 =	sand.u32 $0x4000, s31;
	s1 =	sadd.s32 s1, s30  }
0xc1: {  	s0 =	sor.u32 s3, s0;
	s1 =	sshll.u32 s1, $0x11  }
0xc2: {  	s0 =	sor.u32 s1, s0  }
0xc3: {  	s0 =	sadd.s32 $0x8F2B, s0  }
0xc4: {  	[sflag:s0] =	ssyncadd.remote.s32 $0x1  }
0xc5: {  	_ =	sfence.sel $0xFFFF  }
0xc6: {  	[dreg:$0x0] =	wrdreg $0xFFFFFFFF;
	(pc) =	sbr.abs _section_cstart, $3  }
0xc7: {  	[dreg:$0x1] =	wrdreg $0xFFFFFFFF  }
0xc8: {  	_ =	task.clear_ibuf [dreg:s8], $0x2FFFF;
	_ =	strace $0x9FFFFFFF  }
0xc9: {  	(tm) =	ssettm $0x7FFFFFFF  }
tec
execute0_lowered:
.L_overlay_start_1:
0x0: {  	(tag) =	ssettag $0x1  }
0x1: {  	s1 =	rddreg [dreg:$0x0]  }
0x2: {  	s5 =	rddreg [dreg:$0x1];
	s2 =	srdreg.scid  }
0x3: {  	s0 =	stileid.u32;
	s9 =	rddreg [dreg:$0x2];
	s3 =	simm.s32 $0x0  }
0x4: {  	s13 =	simm.s32 $0x10FA0;
	s6 =	sand.u32 $0x1, s2;
	s4 =	sshll.u32 s0, $0x1  }
0x5: {  	v0 =	vlaneseq.u32;
	s14 =	simm.s32 $0x3;
	s17 =	simm.s32 $0x0;
	s4 =	sor.u32 s6, s4  }
0x6: {  	v10 =	vimm.f32 $-Inf;
	v1 =	vor.u32 $0x800000C0, v0;
	v2 =	vor.u32 $0x800000B0, v0;
	s8 =	ssub.s32 $0x2, s6;
	s10 =	sshll.u32 s4, $0x3;
	s4 =	smul.u32 $0xF4240, s4  }
.Ltmp0:
0x7: {  	[smem:$0x7FF] =	sst s3;
	v3 =	vor.u32 $0x800000A0, v0;
	v4 =	vor.u32 $0x80000090, v0;
	s11 =	sshrl.u32 s8, $0x1;
	(pc) =	sbr.rel .LBB2_1-.Ltmp0, $4  }
0x8: {  	v5 =	vor.u32 $0x80000080, v0;
	v6 =	vor.u32 $0x80000070, v0;
	_ =	strace $0x80000047;
	s7 =	sadd.s32 s10, s5;
	s11 =	ssub.s32 s8, s11  }
0x9: {  	v7 =	vor.u32 $0x80000060, v0;
	v8 =	vor.u32 $0x80000050, v0;
	s9 =	sadd.s32 s9, s10;
	s5 =	sadd.s32 $0x3E80, s4;
	s6 =	sadd.s32 $0x800, s7  }
0xa: {  	v15 =	vimm.s32 $0xFFFFFFFF;
	v9 =	vor.u32 $0x80000040, v0;
	v11 =	vor.u32 $0x80000030, v0;
	s7 =	simm.s32 $0x1F40;
	s12 =	sshrl.u32 s4, $0x3;
	s10 =	smax.u32 s11, $0x1  }
0xb: {  	v12 =	vor.u32 $0x80000020, v0;
	v13 =	vor.u32 $0x80000010, v0;
	v14 =	vor.u32 $0x80000000, v0;
	s11 =	simm.s32 $0x1;
	s8 =	sadd.s32 s1, s12;
	s12 =	simm.s32 $0x2  }
.LBB2_23:
0xc: {  	s0 =	simm.s32 $0x110E0  }
0xd: {  	[hbm4b:s6+s3] =	stream.linear.scatter [tilespmem:s0], [sflag:$0x3], $0x40, $0x38;
	[tilespmem:$0x11160] =	vst v63  }
0xe: {  	s17 =	sadd.s32 $0x1, s17;
	_ =	swait.ge [sflag:s14], $0x40  }
0xf: {  	p0 =	sne.s32 s17, s10;
	[sflag:s14] =	ssyncset.done $0x0  }
.Ltmp1:
0x10: {  	s31 =	simm.s32 $0x11120;
	[sflag:s14] =	ssyncadd.s32 $0xFFFFFFC0;
	(pc) =	sbr.rel @!p0 .LBB2_24-.Ltmp1, $4  }
0x11: {  	[hbm4b:s9+s3] =	stream.linear.scatter [tilespmem:s31], [sflag:$0x3], $0x40, $0x38;
	[tilespmem:$0x11160] =	vst v63  }
0x12: {  	_ =	swait.ge [sflag:s14], $0x40  }
0x13: {  	[sflag:s14] =	ssyncset.done $0x0  }
0x14: {  	[sflag:s14] =	ssyncadd.s32 $0xFFFFFFC0  }
.LBB2_1:
0x15: {  	s18 =	simm.s32 $0x40;
	s19 =	simm.s32 $0x0  }
.LBB2_2:
0x16: {  	p0 =	sne.s32 s18, $0x33C0;
	[tilespmem:s19+$0x101D0] =	vst v10;
	s19 =	smov.u32 s18;
	s18 =	sadd.s32 $0x40, s18  }
.Ltmp2:
0x17: {  	(pc) =	sbr.rel @p0 .LBB2_2-.Ltmp2, $2  }
0x18: {  	_ =	sdelay $0x2  }
0x19: {  	s19 =	sshra.s32 s19, $0x2  }
0x1a: {  	[tilespmem:s19+$0x101D0] =	vst v10  }
0x1b: {  	[tilespmem:$0x10ED0] =	vst v10  }
0x1c: {  	[tilespmem:$0x10EE0] =	vst v10  }
0x1d: {  	[tilespmem:$0x10EF0] =	vst v10  }
0x1e: {  	[tilespmem:$0x10F00] =	vst v10  }
0x1f: {  	[tilespmem:$0x10F10] =	vst v10  }
0x20: {  	[tilespmem:$0x10F20] =	vst v10  }
0x21: {  	[tilespmem:$0x10F30] =	vst v10  }
0x22: {  	[tilespmem:$0x10F40] =	vst v10  }
0x23: {  	[tilespmem:$0x10F50] =	vst v10  }
0x24: {  	[tilespmem:$0x10F60] =	vst v10  }
0x25: {  	s18 =	simm.s32 $0x0;
	s19 =	simm.s32 $0x3E80;
	[tilespmem:$0x10F70] =	vst v10  }
0x26: {  	s20 =	simm.s32 $0x64;
	s21 =	simm.s32 $0x19;
	s22 =	simm.s32 $0x4010;
	[tilespmem:$0x10F80] =	vst v10  }
0x27: {  	s23 =	simm.s32 $0x0;
	s24 =	simm.s32 $0x0;
	s25 =	simm.s32 $0x0;
	[tilespmem:$0x10F90] =	vst v10  }
0x28: {  	[tilespmem:s18], [sflag:$0x1] =	stream.linear.gather [hbm4b:s8+s18], $0x1F40, $0x38;
	[tilespmem:$0x11160] =	vst v63  }
.LBB2_4:
0x29: {  	s26 =	sshllo.u32 s25, $0x1  }
0x2a: {  	s26 =	smul.u32 $0x1F40, s26;
	_ =	sdelay $0x1  }
0x2b: {  	_ =	swait.ge [sflag:s11], $0x1F40;
	s26 =	sadd.s32 s4, s26  }
0x2c: {  	[sflag:s11] =	ssyncset.done $0x0;
	s26 =	sshrl.u32 s26, $0x3  }
0x2d: {  	s2 =	simm.s32 $0xA0;
	[sflag:s11] =	ssyncadd.s32 $0xFFFFE0C0;
	s26 =	sadd.s32 s1, s26  }
0x2e: {  	[tilespmem:s7], [sflag:$0x2] =	stream.linear.gather [hbm4b:s26+s18], $0x1F40, $0x38;
	[tilespmem:$0x11160] =	vst v63  }
0x2f: {  	v16 =	vld [tilespmem:s2+$0xFFFFFF70]  }
0x30: {  	v17 =	vld [tilespmem:s2+$0xFFFFFF60]  }
0x31: {  	v18 =	vld [tilespmem:s2+$0xFFFFFF80]  }
0x32: {  	v19 =	vld [tilespmem:s2+$0xFFFFFF90]  }
0x33: {  	v20 =	vld [tilespmem:s2+$0xFFFFFFA0]  }
0x34: {  	v21 =	vld [tilespmem:s2+$0xFFFFFFB0]  }
0x35: {  	v16 =	vmax.f32 v17, v16;
	v17 =	vld [tilespmem:s2+$0xFFFFFFC0]  }
0x36: {  	v16 =	vmax.f32 v16, v18;
	v18 =	vld [tilespmem:s2+$0xFFFFFFD0]  }
0x37: {  	v16 =	vmax.f32 v16, v19;
	v19 =	vld [tilespmem:s2+$0xFFFFFFE0]  }
0x38: {  	v16 =	vmax.f32 v16, v20;
	v20 =	vld [tilespmem:s2+$0xFFFFFFF0]  }
0x39: {  	v62 =	vld [tilespmem:s2+$0x0];
	v16 =	vmax.f32 v16, v21  }
0x3a: {  	v16 =	vmax.f32 v16, v17;
	v17 =	vld [tilespmem:s2+$0x10]  }
0x3b: {  	v16 =	vmax.f32 v16, v18;
	v18 =	vld [tilespmem:s2+$0x20]  }
0x3c: {  	v16 =	vmax.f32 v16, v19;
	v19 =	vld [tilespmem:s2+$0x30]  }
0x3d: {  	v16 =	vmax.f32 v16, v20;
	v20 =	vld [tilespmem:s2+$0x40]  }
0x3e: {  	v63 =	vld [tilespmem:s2+$0x50];
	v16 =	vmax.f32 v16, v62  }
0x3f: {  	v16 =	vmax.f32 v16, v17;
	v17 =	vld [tilespmem:s2+$0x60]  }
0x40: {  	v16 =	vmax.f32 v16, v18;
	v18 =	vld [tilespmem:s2+$0x70]  }
0x41: {  	v16 =	vmax.f32 v16, v19;
	v19 =	vld [tilespmem:s2+$0x80]  }
0x42: {  	v16 =	vmax.f32 v16, v20;
	v20 =	vld [tilespmem:s2+$0x90]  }
0x43: {  	v16 =	vmax.f32 v16, v63  }
0x44: {  	v16 =	vmax.f32 v16, v17  }
0x45: {  	v17 =	vmax.f32 v16, v18  }
0x46: {  	v16 =	vmov s19;
	v17 =	vmax.f32 v17, v19  }
0x47: {  	v17 =	vmax.f32 v17, v20  }
0x48: {  	(xrf0) =	vmax.scan.msk.f32 $0xffff, v17;
	_ =	sdelay $0x1  }
0x49: {  	s15 =	simm.s32 $0x0;
	s28 =	sand.u32 $0x7FC0, s24  }
0x4a: {  	s16 =	sshrl.u32 s28, $0x2;
	[tilespmem:v16+s15+$0x0 ss:$0x1] =	vst.idx.msk $0xffff, v17  }
0x4b: {  	v17 =	vld [tilespmem:s16+$0x101D0];
	_ =	sdelay $0x1  }
0x4c: {  	s28 =	sand.u32 $0xF, s23;
	v18, _, _ =	vpop (xrf0)  }
0x4d: {  	v19 =	vmov s28;
	v18 =	vbroadcast v18, $0xF  }
0x4e: {  	vm0 =	veq.s32 v19, v0  }
0x4f: {  	v17 =	vsel vm0, v18, v17  }
0x50: {  	s30 =	simm.s32 $0x1E0;
	[tilespmem:s16+$0x101D0] =	vst v17  }
0x51: {  	s31 =	simm.s32 $0x80;
	v17 =	vld [tilespmem:s30+$0xFFFFFF70]  }
0x52: {  	s29 =	smov.u32 s24;
	s26 =	smov.u32 s23;
	s28 =	simm.s32 $0x40;
	v18 =	vld [tilespmem:s30+$0xFFFFFF60]  }
.LBB2_5:
0x53: {  	p0 =	sne.s32 s31, $0x600;
	v19 =	vld [tilespmem:s30+$0xFFFFFF80]  }
0x54: {  	v20 =	vld [tilespmem:s30+$0xFFFFFF90]  }
0x55: {  	v21 =	vld [tilespmem:s30+$0xFFFFFFA0]  }
0x56: {  	v22 =	vld [tilespmem:s30+$0xFFFFFFB0]  }
0x57: {  	v17 =	vmax.f32 v18, v17;
	v18 =	vld [tilespmem:s30+$0xFFFFFFC0]  }
0x58: {  	v17 =	vmax.f32 v17, v19;
	v19 =	vld [tilespmem:s30+$0xFFFFFFD0]  }
0x59: {  	v17 =	vmax.f32 v17, v20;
	v20 =	vld [tilespmem:s30+$0xFFFFFFE0]  }
0x5a: {  	v17 =	vmax.f32 v17, v21;
	v21 =	vld [tilespmem:s30+$0xFFFFFFF0]  }
0x5b: {  	v17 =	vmax.f32 v17, v22;
	v22 =	vld [tilespmem:s30+$0x0]  }
0x5c: {  	v17 =	vmax.f32 v17, v18;
	v18 =	vld [tilespmem:s30+$0x10]  }
0x5d: {  	v17 =	vmax.f32 v17, v19;
	v19 =	vld [tilespmem:s30+$0x20]  }
0x5e: {  	v17 =	vmax.f32 v17, v20;
	v20 =	vld [tilespmem:s30+$0x30]  }
0x5f: {  	v17 =	vmax.f32 v17, v21;
	v21 =	vld [tilespmem:s30+$0x40]  }
0x60: {  	v17 =	vmax.f32 v17, v22;
	v22 =	vld [tilespmem:s30+$0x50]  }
0x61: {  	v17 =	vmax.f32 v17, v18;
	v18 =	vld [tilespmem:s30+$0x60]  }
0x62: {  	v17 =	vmax.f32 v17, v19;
	v19 =	vld [tilespmem:s30+$0x70]  }
0x63: {  	v17 =	vmax.f32 v17, v20;
	v20 =	vld [tilespmem:s30+$0x80]  }
0x64: {  	v17 =	vmax.f32 v17, v21;
	v21 =	vld [tilespmem:s30+$0x90]  }
0x65: {  	v17 =	vmax.f32 v17, v22  }
0x66: {  	v17 =	vmax.f32 v17, v18  }
0x67: {  	v17 =	vmax.f32 v17, v19  }
0x68: {  	v17 =	vmax.f32 v17, v20  }
0x69: {  	s2 =	sshra.s32 s28, $0x2;
	s28 =	smov.u32 s31;
	v17 =	vmax.f32 v17, v21  }
0x6a: {  	[tilespmem:v16+s2+$0x0 ss:$0x1] =	vst.idx.msk $0xffff, v17;
	(xrf0) =	vmax.scan.msk.f32 $0xffff, v17  }
0x6b: {  	s29 =	sadd.s32 $0x4, s29  }
0x6c: {  	s2 =	sand.u32 $0x7FC0, s29  }
0x6d: {  	s2 =	sshrl.u32 s2, $0x2  }
0x6e: {  	v17 =	vld [tilespmem:s2+$0x101D0]  }
0x6f: {  	s26 =	sadd.s32 $0x1, s26  }
0x70: {  	s0 =	sand.u32 $0xF, s26;
	v18, _, _ =	vpop (xrf0)  }
0x71: {  	v19 =	vmov s0;
	v18 =	vbroadcast v18, $0xF  }
.Ltmp3:
0x72: {  	vm0 =	veq.s32 v19, v0;
	(pc) =	sbr.rel @p0 .LBB2_5-.Ltmp3, $4  }
0x73: {  	v17 =	vsel vm0, v18, v17  }
0x74: {  	s30 =	sadd.s32 $0x140, s30;
	[tilespmem:s2+$0x101D0] =	vst v17  }
0x75: {  	v17 =	vld [tilespmem:s30+$0xFFFFFF70]  }
0x76: {  	s31 =	sadd.s32 $0x40, s31;
	v18 =	vld [tilespmem:s30+$0xFFFFFF60]  }
0x77: {  	v19 =	vld [tilespmem:s30+$0xFFFFFF80]  }
0x78: {  	v20 =	vld [tilespmem:s30+$0xFFFFFF90]  }
0x79: {  	v21 =	vld [tilespmem:s30+$0xFFFFFFA0]  }
0x7a: {  	v22 =	vld [tilespmem:s30+$0xFFFFFFB0]  }
0x7b: {  	v17 =	vmax.f32 v18, v17;
	v18 =	vld [tilespmem:s30+$0xFFFFFFC0]  }
0x7c: {  	v17 =	vmax.f32 v17, v19;
	v19 =	vld [tilespmem:s30+$0xFFFFFFD0]  }
0x7d: {  	v17 =	vmax.f32 v17, v20;
	v20 =	vld [tilespmem:s30+$0xFFFFFFE0]  }
0x7e: {  	v56 =	vld [tilespmem:s30+$0xFFFFFFF0];
	v17 =	vmax.f32 v17, v21  }
0x7f: {  	v57 =	vld [tilespmem:s30+$0x0];
	v17 =	vmax.f32 v17, v22  }
0x80: {  	v17 =	vmax.f32 v17, v18;
	v18 =	vld [tilespmem:s30+$0x10]  }
0x81: {  	v17 =	vmax.f32 v17, v19;
	v19 =	vld [tilespmem:s30+$0x20]  }
0x82: {  	v17 =	vmax.f32 v17, v20;
	v20 =	vld [tilespmem:s30+$0x30]  }
0x83: {  	v58 =	vld [tilespmem:s30+$0x40];
	v17 =	vmax.f32 v17, v56  }
0x84: {  	v59 =	vld [tilespmem:s30+$0x50];
	v17 =	vmax.f32 v17, v57  }
0x85: {  	v17 =	vmax.f32 v17, v18;
	v18 =	vld [tilespmem:s30+$0x60]  }
0x86: {  	v17 =	vmax.f32 v17, v19;
	v19 =	vld [tilespmem:s30+$0x70]  }
0x87: {  	v17 =	vmax.f32 v17, v20;
	v20 =	vld [tilespmem:s30+$0x80]  }
0x88: {  	v60 =	vld [tilespmem:s30+$0x90];
	v17 =	vmax.f32 v17, v58  }
0x89: {  	v17 =	vmax.f32 v17, v59  }
0x8a: {  	v17 =	vmax.f32 v17, v18  }
0x8b: {  	v17 =	vmax.f32 v17, v19  }
0x8c: {  	v17 =	vmax.f32 v17, v20  }
0x8d: {  	v17 =	vmax.f32 v17, v60  }
0x8e: {  	(xrf0) =	vmax.scan.msk.f32 $0xffff, v17  }
0x8f: {  	s0 =	sadd.s32 $0x4, s29  }
0x90: {  	s2 =	sshra.s32 s28, $0x2;
	s0 =	sand.u32 $0x7FC0, s0  }
0x91: {  	s0 =	sshrl.u32 s0, $0x2;
	[tilespmem:v16+s2+$0x0 ss:$0x1] =	vst.idx.msk $0xffff, v17  }
0x92: {  	v16 =	vld [tilespmem:s0+$0x101D0]  }
0x93: {  	s16 =	sadd.s32 $0x1, s26  }
0x94: {  	s2 =	sand.u32 $0xF, s16;
	v17, _, _ =	vpop (xrf0)  }
0x95: {  	v18 =	vmov s2;
	v17 =	vbroadcast v17, $0xF  }
0x96: {  	vm0 =	veq.s32 v18, v0  }
0x97: {  	s26 =	smul.u32 $0x3E80, s25;
	v16 =	vsel vm0, v17, v16  }
0x98: {  	[tilespmem:s0+$0x101D0] =	vst v16  }
0x99: {  	s15 =	sadd.s32 s26, s5;
	_ =	swait.ge [sflag:s12], $0x1F40  }
0x9a: {  	s26 =	simm.s32 $0x1FE0;
	s0 =	sshrl.u32 s15, $0x3;
	[sflag:s12] =	ssyncset.done $0x0  }
0x9b: {  	s16 =	simm.s32 $0x0;
	s0 =	sadd.s32 s1, s0;
	[sflag:s12] =	ssyncadd.s32 $0xFFFFE0C0  }
0x9c: {  	[tilespmem:s16], [sflag:$0x1] =	stream.linear.gather [hbm4b:s0+s16], $0x1F40, $0x38;
	[tilespmem:$0x11160] =	vst v63  }
0x9d: {  	v16 =	vld [tilespmem:s26+$0xFFFFFF70]  }
0x9e: {  	v17 =	vld [tilespmem:s26+$0xFFFFFF60]  }
0x9f: {  	v18 =	vld [tilespmem:s26+$0xFFFFFF80]  }
0xa0: {  	v19 =	vld [tilespmem:s26+$0xFFFFFF90]  }
0xa1: {  	v20 =	vld [tilespmem:s26+$0xFFFFFFA0]  }
0xa2: {  	v61 =	vld [tilespmem:s26+$0xFFFFFFB0]  }
0xa3: {  	v16 =	vmax.f32 v17, v16;
	v17 =	vld [tilespmem:s26+$0xFFFFFFC0]  }
0xa4: {  	v16 =	vmax.f32 v16, v18;
	v18 =	vld [tilespmem:s26+$0xFFFFFFD0]  }
0xa5: {  	v16 =	vmax.f32 v16, v19;
	v19 =	vld [tilespmem:s26+$0xFFFFFFE0]  }
0xa6: {  	v16 =	vmax.f32 v16, v20;
	v20 =	vld [tilespmem:s26+$0xFFFFFFF0]  }
0xa7: {  	v62 =	vld [tilespmem:s26+$0x0];
	v16 =	vmax.f32 v16, v61  }
0xa8: {  	v16 =	vmax.f32 v16, v17;
	v17 =	vld [tilespmem:s26+$0x10]  }
0xa9: {  	v16 =	vmax.f32 v16, v18;
	v18 =	vld [tilespmem:s26+$0x20]  }
0xaa: {  	v16 =	vmax.f32 v16, v19;
	v19 =	vld [tilespmem:s26+$0x30]  }
0xab: {  	v16 =	vmax.f32 v16, v20;
	v20 =	vld [tilespmem:s26+$0x40]  }
0xac: {  	v63 =	vld [tilespmem:s26+$0x50];
	v16 =	vmax.f32 v16, v62  }
0xad: {  	v16 =	vmax.f32 v16, v17;
	v17 =	vld [tilespmem:s26+$0x60]  }
0xae: {  	v16 =	vmax.f32 v16, v18;
	v18 =	vld [tilespmem:s26+$0x70]  }
0xaf: {  	v16 =	vmax.f32 v16, v19;
	v19 =	vld [tilespmem:s26+$0x80]  }
0xb0: {  	v16 =	vmax.f32 v16, v20;
	v20 =	vld [tilespmem:s26+$0x90]  }
0xb1: {  	v16 =	vmax.f32 v16, v63  }
0xb2: {  	v16 =	vmax.f32 v16, v17  }
0xb3: {  	v17 =	vmax.f32 v16, v18  }
0xb4: {  	v16 =	vmov s22;
	v17 =	vmax.f32 v17, v19  }
0xb5: {  	v17 =	vmax.f32 v17, v20  }
0xb6: {  	(xrf0) =	vmax.scan.msk.f32 $0xffff, v17;
	_ =	sdelay $0x1  }
0xb7: {  	s2 =	simm.s32 $0x0;
	s15 =	sand.u32 $0x7FFFFFC0, s20  }
0xb8: {  	s16 =	sshrl.u32 s15, $0x2;
	[tilespmem:v16+s2+$0x0 ss:$0x1] =	vst.idx.msk $0xffff, v17  }
0xb9: {  	v17 =	vld [tilespmem:s16+$0x101D0];
	_ =	sdelay $0x1  }
0xba: {  	s26 =	sand.u32 $0xF, s21;
	v18, _, _ =	vpop (xrf0)  }
0xbb: {  	v19 =	vmov s26;
	v18 =	vbroadcast v18, $0xF  }
0xbc: {  	vm15 =	veq.s32 v19, v0  }
0xbd: {  	v17 =	vsel vm15, v18, v17  }
0xbe: {  	s30 =	simm.s32 $0x2120;
	[tilespmem:s16+$0x101D0] =	vst v17  }
0xbf: {  	s28 =	simm.s32 $0x40;
	v17 =	vld [tilespmem:s30+$0xFFFFFF70]  }
0xc0: {  	s31 =	simm.s32 $0x80;
	s29 =	smov.u32 s20;
	s26 =	smov.u32 s21;
	v18 =	vld [tilespmem:s30+$0xFFFFFF60]  }
.LBB2_7:
0xc1: {  	p0 =	sne.s32 s31, $0x600;
	v19 =	vld [tilespmem:s30+$0xFFFFFF80]  }
0xc2: {  	v20 =	vld [tilespmem:s30+$0xFFFFFF90]  }
0xc3: {  	v21 =	vld [tilespmem:s30+$0xFFFFFFA0]  }
0xc4: {  	v22 =	vld [tilespmem:s30+$0xFFFFFFB0]  }
0xc5: {  	v17 =	vmax.f32 v18, v17;
	v18 =	vld [tilespmem:s30+$0xFFFFFFC0]  }
0xc6: {  	v17 =	vmax.f32 v17, v19;
	v19 =	vld [tilespmem:s30+$0xFFFFFFD0]  }
0xc7: {  	v17 =	vmax.f32 v17, v20;
	v20 =	vld [tilespmem:s30+$0xFFFFFFE0]  }
0xc8: {  	v17 =	vmax.f32 v17, v21;
	v21 =	vld [tilespmem:s30+$0xFFFFFFF0]  }
0xc9: {  	v17 =	vmax.f32 v17, v22;
	v22 =	vld [tilespmem:s30+$0x0]  }
0xca: {  	v17 =	vmax.f32 v17, v18;
	v18 =	vld [tilespmem:s30+$0x10]  }
0xcb: {  	v17 =	vmax.f32 v17, v19;
	v19 =	vld [tilespmem:s30+$0x20]  }
0xcc: {  	v17 =	vmax.f32 v17, v20;
	v20 =	vld [tilespmem:s30+$0x30]  }
0xcd: {  	v17 =	vmax.f32 v17, v21;
	v21 =	vld [tilespmem:s30+$0x40]  }
0xce: {  	v17 =	vmax.f32 v17, v22;
	v22 =	vld [tilespmem:s30+$0x50]  }
0xcf: {  	v17 =	vmax.f32 v17, v18;
	v18 =	vld [tilespmem:s30+$0x60]  }
0xd0: {  	v17 =	vmax.f32 v17, v19;
	v19 =	vld [tilespmem:s30+$0x70]  }
0xd1: {  	v17 =	vmax.f32 v17, v20;
	v20 =	vld [tilespmem:s30+$0x80]  }
0xd2: {  	v17 =	vmax.f32 v17, v21;
	v21 =	vld [tilespmem:s30+$0x90]  }
0xd3: {  	v17 =	vmax.f32 v17, v22  }
0xd4: {  	v17 =	vmax.f32 v17, v18  }
0xd5: {  	v17 =	vmax.f32 v17, v19  }
0xd6: {  	v17 =	vmax.f32 v17, v20  }
0xd7: {  	s0 =	sshra.s32 s28, $0x2;
	s28 =	smov.u32 s31;
	v17 =	vmax.f32 v17, v21  }
0xd8: {  	[tilespmem:v16+s0+$0x0 ss:$0x1] =	vst.idx.msk $0xffff, v17;
	(xrf0) =	vmax.scan.msk.f32 $0xffff, v17  }
0xd9: {  	s29 =	sadd.s32 $0x4, s29  }
0xda: {  	s0 =	sand.u32 $0x7FFFFFC0, s29  }
0xdb: {  	s0 =	sshrl.u32 s0, $0x2  }
0xdc: {  	v17 =	vld [tilespmem:s0+$0x101D0]  }
0xdd: {  	s26 =	sadd.s32 $0x1, s26  }
0xde: {  	s2 =	sand.u32 $0xF, s26;
	v18, _, _ =	vpop (xrf0)  }
0xdf: {  	v19 =	vmov s2;
	v18 =	vbroadcast v18, $0xF  }
.Ltmp4:
0xe0: {  	vm0 =	veq.s32 v19, v0;
	(pc) =	sbr.rel @p0 .LBB2_7-.Ltmp4, $4  }
0xe1: {  	v17 =	vsel vm0, v18, v17  }
0xe2: {  	s30 =	sadd.s32 $0x140, s30;
	[tilespmem:s0+$0x101D0] =	vst v17  }
0xe3: {  	v17 =	vld [tilespmem:s30+$0xFFFFFF70]  }
0xe4: {  	s31 =	sadd.s32 $0x40, s31;
	v18 =	vld [tilespmem:s30+$0xFFFFFF60]  }
0xe5: {  	v19 =	vld [tilespmem:s30+$0xFFFFFF80]  }
0xe6: {  	v20 =	vld [tilespmem:s30+$0xFFFFFF90]  }
0xe7: {  	v21 =	vld [tilespmem:s30+$0xFFFFFFA0]  }
0xe8: {  	v22 =	vld [tilespmem:s30+$0xFFFFFFB0]  }
0xe9: {  	v49 =	vld [tilespmem:s30+$0xFFFFFFC0];
	v17 =	vmax.f32 v18, v17  }
0xea: {  	v50 =	vld [tilespmem:s30+$0xFFFFFFD0];
	v17 =	vmax.f32 v17, v19  }
0xeb: {  	v51 =	vld [tilespmem:s30+$0xFFFFFFE0];
	v17 =	vmax.f32 v17, v20  }
0xec: {  	v52 =	vld [tilespmem:s30+$0xFFFFFFF0];
	v17 =	vmax.f32 v17, v21  }
0xed: {  	v53 =	vld [tilespmem:s30+$0x0];
	v17 =	vmax.f32 v17, v22  }
0xee: {  	v54 =	vld [tilespmem:s30+$0x10];
	v17 =	vmax.f32 v17, v49  }
0xef: {  	v55 =	vld [tilespmem:s30+$0x20];
	v17 =	vmax.f32 v17, v50  }
0xf0: {  	v56 =	vld [tilespmem:s30+$0x30];
	v17 =	vmax.f32 v17, v51  }
0xf1: {  	v57 =	vld [tilespmem:s30+$0x40];
	v17 =	vmax.f32 v17, v52  }
0xf2: {  	v58 =	vld [tilespmem:s30+$0x50];
	v17 =	vmax.f32 v17, v53  }
0xf3: {  	v59 =	vld [tilespmem:s30+$0x60];
	v17 =	vmax.f32 v17, v54  }
0xf4: {  	v60 =	vld [tilespmem:s30+$0x70];
	v17 =	vmax.f32 v17, v55  }
0xf5: {  	v61 =	vld [tilespmem:s30+$0x80];
	v17 =	vmax.f32 v17, v56  }
0xf6: {  	v62 =	vld [tilespmem:s30+$0x90];
	v17 =	vmax.f32 v17, v57  }
0xf7: {  	v17 =	vmax.f32 v17, v58  }
0xf8: {  	v17 =	vmax.f32 v17, v59  }
0xf9: {  	v17 =	vmax.f32 v17, v60  }
0xfa: {  	v17 =	vmax.f32 v17, v61  }
0xfb: {  	v17 =	vmax.f32 v17, v62  }
0xfc: {  	(xrf0) =	vmax.scan.msk.f32 $0xffff, v17  }
0xfd: {  	s0 =	sadd.s32 $0x4, s29  }
0xfe: {  	s2 =	sshra.s32 s28, $0x2;
	s0 =	sand.u32 $0x7FFFFFC0, s0  }
0xff: {  	s0 =	sshrl.u32 s0, $0x2;
	[tilespmem:v16+s2+$0x0 ss:$0x1] =	vst.idx.msk $0xffff, v17  }
0x100: {  	s25 =	sadd.s32 $0x1, s25;
	v16 =	vld [tilespmem:s0+$0x101D0]  }
0x101: {  	s31 =	sadd.s32 $0x1, s26;
	p0 =	sne.s32 s25, $0x3E  }
.Ltmp5:
0x102: {  	s2 =	sand.u32 $0xF, s31;
	v17, _, _ =	vpop (xrf0);
	(pc) =	sbr.rel @p0 .LBB2_4-.Ltmp5, $4  }
0x103: {  	v63 =	vmov s2;
	v17 =	vbroadcast v17, $0xF  }
0x104: {  	vm0 =	veq.s32 v63, v0  }
0x105: {  	s24 =	sadd.s32 $0xC8, s24;
	s23 =	sadd.s32 $0x32, s23;
	s19 =	sadd.s32 $0x320, s19;
	v16 =	vsel vm0, v17, v16  }
0x106: {  	s20 =	sadd.s32 $0xC8, s20;
	s21 =	sadd.s32 $0x32, s21;
	s22 =	sadd.s32 $0x320, s22;
	[tilespmem:s0+$0x101D0] =	vst v16  }
0x107: {  	p1 =	por $0x0, $0x0  }
.Ltmp6:
0x108: {  	_ =	swait.ge [sflag:s11], $0x1F40;
	(pc) =	sbr.rel @p1 .LBB2_10-.Ltmp6, $4  }
0x109: {  	[sflag:s11] =	ssyncset.done $0x0  }
0x10a: {  	s20 =	simm.s32 $0xA0;
	[sflag:s11] =	ssyncadd.s32 $0xFFFFE0C0  }
0x10b: {  	s24 =	simm.s32 $0xC1C;
	s18 =	simm.s32 $0x3070;
	v16 =	vld [tilespmem:s20+$0xFFFFFF70]  }
0x10c: {  	s19 =	simm.s32 $0x10040;
	s21 =	simm.s32 $0xC1D;
	p0 =	por $0x0, $0x0;
	v17 =	vld [tilespmem:s20+$0xFFFFFF60]  }
0x10d: {  	v18 =	vld [tilespmem:s20+$0xFFFFFF80]  }
0x10e: {  	v19 =	vld [tilespmem:s20+$0xFFFFFF90]  }
0x10f: {  	v20 =	vld [tilespmem:s20+$0xFFFFFFA0]  }
0x110: {  	v21 =	vld [tilespmem:s20+$0xFFFFFFB0]  }
0x111: {  	v16 =	vmax.f32 v17, v16;
	v17 =	vld [tilespmem:s20+$0xFFFFFFC0]  }
0x112: {  	v16 =	vmax.f32 v16, v18;
	v18 =	vld [tilespmem:s20+$0xFFFFFFD0]  }
0x113: {  	v16 =	vmax.f32 v16, v19;
	v19 =	vld [tilespmem:s20+$0xFFFFFFE0]  }
0x114: {  	v59 =	vld [tilespmem:s20+$0xFFFFFFF0];
	v16 =	vmax.f32 v16, v20  }
0x115: {  	v60 =	vld [tilespmem:s20+$0x0];
	v16 =	vmax.f32 v16, v21  }
0x116: {  	v16 =	vmax.f32 v16, v17;
	v17 =	vld [tilespmem:s20+$0x10]  }
0x117: {  	v16 =	vmax.f32 v16, v18;
	v18 =	vld [tilespmem:s20+$0x20]  }
0x118: {  	v16 =	vmax.f32 v16, v19;
	v19 =	vld [tilespmem:s20+$0x30]  }
0x119: {  	v61 =	vld [tilespmem:s20+$0x40];
	v16 =	vmax.f32 v16, v59  }
0x11a: {  	v62 =	vld [tilespmem:s20+$0x50];
	v16 =	vmax.f32 v16, v60  }
0x11b: {  	v16 =	vmax.f32 v16, v17;
	v17 =	vld [tilespmem:s20+$0x60]  }
0x11c: {  	v16 =	vmax.f32 v16, v18;
	v18 =	vld [tilespmem:s20+$0x70]  }
0x11d: {  	v16 =	vmax.f32 v16, v19;
	v19 =	vld [tilespmem:s20+$0x80]  }
0x11e: {  	v63 =	vld [tilespmem:s20+$0x90];
	v16 =	vmax.f32 v16, v61  }
0x11f: {  	v16 =	vmax.f32 v16, v62  }
0x120: {  	v16 =	vmax.f32 v16, v17  }
0x121: {  	v16 =	vmax.f32 v16, v18  }
0x122: {  	v16 =	vmax.f32 v16, v19  }
0x123: {  	v16 =	vmax.f32 v16, v63  }
0x124: {  	(xrf0) =	vmax.scan.msk.f32 $0xffff, v16;
	_ =	sdelay $0x1  }
0x125: {  	s0 =	sand.u32 $0x30C0, s18  }
0x126: {  	s0 =	sshrl.u32 s0, $0x2;
	[tilespmem:s19+$0x0] =	vst v16  }
0x127: {  	v16 =	vld [tilespmem:s0+$0x101D0];
	_ =	sdelay $0x1  }
0x128: {  	s2 =	sand.u32 $0xF, s24;
	v17, _, _ =	vpop (xrf0)  }
0x129: {  	p1 =	por $0x0, $0x0;
	v18 =	vmov s2;
	v17 =	vbroadcast v17, $0xF  }
.Ltmp7:
0x12a: {  	vm0 =	veq.s32 v18, v0;
	(pc) =	sbr.rel @p1 .LBB2_12-.Ltmp7, $4  }
0x12b: {  	v16 =	vsel vm0, v17, v16  }
0x12c: {  	s20 =	simm.s32 $0x1E0;
	[tilespmem:s0+$0x101D0] =	vst v16  }
0x12d: {  	s24 =	simm.s32 $0xC1E;
	v16 =	vld [tilespmem:s20+$0xFFFFFF70]  }
0x12e: {  	p0 =	por $0x1, $0x1;
	s22 =	simm.s32 $0x10040;
	s23 =	simm.s32 $0x3070;
	v17 =	vld [tilespmem:s20+$0xFFFFFF60]  }
.LBB2_13:
0x12f: {  	p1 =	seq.s32 s24, $0xC34;
	v18 =	vld [tilespmem:s20+$0xFFFFFF80]  }
0x130: {  	v19 =	vld [tilespmem:s20+$0xFFFFFF90]  }
0x131: {  	v20 =	vld [tilespmem:s20+$0xFFFFFFA0]  }
0x132: {  	v21 =	vld [tilespmem:s20+$0xFFFFFFB0]  }
0x133: {  	v16 =	vmax.f32 v17, v16;
	v17 =	vld [tilespmem:s20+$0xFFFFFFC0]  }
0x134: {  	v16 =	vmax.f32 v16, v18;
	v18 =	vld [tilespmem:s20+$0xFFFFFFD0]  }
0x135: {  	v16 =	vmax.f32 v16, v19;
	v19 =	vld [tilespmem:s20+$0xFFFFFFE0]  }
0x136: {  	v16 =	vmax.f32 v16, v20;
	v20 =	vld [tilespmem:s20+$0xFFFFFFF0]  }
0x137: {  	v16 =	vmax.f32 v16, v21;
	v21 =	vld [tilespmem:s20+$0x0]  }
0x138: {  	v16 =	vmax.f32 v16, v17;
	v17 =	vld [tilespmem:s20+$0x10]  }
0x139: {  	v16 =	vmax.f32 v16, v18;
	v18 =	vld [tilespmem:s20+$0x20]  }
0x13a: {  	v16 =	vmax.f32 v16, v19;
	v19 =	vld [tilespmem:s20+$0x30]  }
0x13b: {  	v16 =	vmax.f32 v16, v20;
	v20 =	vld [tilespmem:s20+$0x40]  }
0x13c: {  	v16 =	vmax.f32 v16, v21;
	v21 =	vld [tilespmem:s20+$0x50]  }
0x13d: {  	v16 =	vmax.f32 v16, v17;
	v17 =	vld [tilespmem:s20+$0x60]  }
0x13e: {  	v16 =	vmax.f32 v16, v18;
	v18 =	vld [tilespmem:s20+$0x70]  }
0x13f: {  	v16 =	vmax.f32 v16, v19;
	v19 =	vld [tilespmem:s20+$0x80]  }
0x140: {  	v16 =	vmax.f32 v16, v20;
	v20 =	vld [tilespmem:s20+$0x90]  }
0x141: {  	v16 =	vmax.f32 v16, v21  }
0x142: {  	v16 =	vmax.f32 v16, v17  }
0x143: {  	v16 =	vmax.f32 v16, v18  }
0x144: {  	v16 =	vmax.f32 v16, v19  }
0x145: {  	s22 =	sadd.s32 $0x10, s22;
	v16 =	vmax.f32 v16, v20  }
0x146: {  	[tilespmem:s22+$0x0] =	vst v16;
	(xrf0) =	vmax.scan.msk.f32 $0xffff, v16  }
0x147: {  	s23 =	sadd.s32 $0x4, s23  }
0x148: {  	s0 =	sand.u32 $0x30C0, s23  }
0x149: {  	s0 =	sshrl.u32 s0, $0x2  }
0x14a: {  	v16 =	vld [tilespmem:s0+$0x101D0];
	_ =	sdelay $0x1  }
0x14b: {  	s2 =	sand.u32 $0xF, s21;
	s21 =	smov.u32 s24;
	v17, _, _ =	vpop (xrf0)  }
0x14c: {  	v18 =	vmov s2;
	v17 =	vbroadcast v17, $0xF  }
.Ltmp8:
0x14d: {  	vm0 =	veq.s32 v18, v0;
	(pc) =	sbr.rel @!p1 .LBB2_13-.Ltmp8, $4  }
0x14e: {  	v16 =	vsel vm0, v17, v16  }
0x14f: {  	s20 =	sadd.s32 $0x140, s20;
	[tilespmem:s0+$0x101D0] =	vst v16  }
0x150: {  	v16 =	vld [tilespmem:s20+$0xFFFFFF70]  }
0x151: {  	s24 =	sadd.s32 $0x1, s24;
	v17 =	vld [tilespmem:s20+$0xFFFFFF60]  }
0x152: {  	s24 =	smov.u32 s21  }
.LBB2_15:
0x153: {  	v18 =	vld [tilespmem:s20+$0xFFFFFF80]  }
0x154: {  	v19 =	vld [tilespmem:s20+$0xFFFFFF90]  }
0x155: {  	v20 =	vld [tilespmem:s20+$0xFFFFFFA0]  }
0x156: {  	v21 =	vld [tilespmem:s20+$0xFFFFFFB0]  }
0x157: {  	v16 =	vmax.f32 v17, v16;
	v17 =	vld [tilespmem:s20+$0xFFFFFFC0]  }
0x158: {  	v16 =	vmax.f32 v16, v18;
	v18 =	vld [tilespmem:s20+$0xFFFFFFD0]  }
0x159: {  	v16 =	vmax.f32 v16, v19;
	v19 =	vld [tilespmem:s20+$0xFFFFFFE0]  }
0x15a: {  	v59 =	vld [tilespmem:s20+$0xFFFFFFF0];
	v16 =	vmax.f32 v16, v20  }
0x15b: {  	v60 =	vld [tilespmem:s20+$0x0];
	v16 =	vmax.f32 v16, v21  }
0x15c: {  	v16 =	vmax.f32 v16, v17;
	v17 =	vld [tilespmem:s20+$0x10]  }
0x15d: {  	v16 =	vmax.f32 v16, v18;
	v18 =	vld [tilespmem:s20+$0x20]  }
0x15e: {  	v16 =	vmax.f32 v16, v19;
	v19 =	vld [tilespmem:s20+$0x30]  }
0x15f: {  	v61 =	vld [tilespmem:s20+$0x40];
	v16 =	vmax.f32 v16, v59  }
0x160: {  	v62 =	vld [tilespmem:s20+$0x50];
	v16 =	vmax.f32 v16, v60  }
0x161: {  	v16 =	vmax.f32 v16, v17;
	v17 =	vld [tilespmem:s20+$0x60]  }
0x162: {  	v16 =	vmax.f32 v16, v18;
	v18 =	vld [tilespmem:s20+$0x70]  }
0x163: {  	v16 =	vmax.f32 v16, v19;
	v19 =	vld [tilespmem:s20+$0x80]  }
0x164: {  	v63 =	vld [tilespmem:s20+$0x90];
	v16 =	vmax.f32 v16, v61  }
0x165: {  	v16 =	vmax.f32 v16, v62  }
0x166: {  	v16 =	vmax.f32 v16, v17  }
0x167: {  	v16 =	vmax.f32 v16, v18  }
0x168: {  	v16 =	vmax.f32 v16, v19  }
0x169: {  	v16 =	vmax.f32 v16, v63  }
0x16a: {  	s0 =	sadd.s32 @p0 $0x4, s23;
	(xrf0) =	vmax.scan.msk.f32 $0xffff, v16  }
0x16b: {  	s2 =	sadd.s32 @p0 $0x10, s22;
	s18 =	smov.u32 @p0 s0  }
0x16c: {  	s19 =	smov.u32 @p0 s2;
	s0 =	sand.u32 $0x30C0, s18  }
0x16d: {  	s0 =	sshrl.u32 s0, $0x2;
	[tilespmem:s19+$0x0] =	vst v16  }
0x16e: {  	v16 =	vld [tilespmem:s0+$0x101D0];
	_ =	sdelay $0x1  }
0x16f: {  	s28 =	sand.u32 $0xF, s24;
	v17, _, _ =	vpop (xrf0)  }
0x170: {  	v18 =	vmov s28;
	v17 =	vbroadcast v17, $0xF  }
0x171: {  	vm0 =	veq.s32 v18, v0  }
0x172: {  	v16 =	vsel vm0, v17, v16  }
0x173: {  	s29 =	simm.s32 $0x101D0;
	[tilespmem:s0+$0x101D0] =	vst v16  }
0x174: {  	v16 =	vld [tilespmem:s29+$0x0];
	_ =	sdelay $0x4  }
0x175: {  	(xrf0) =	vmax.scan.msk.f32 $0xffff, v16  }
0x176: {  	s18 =	simm.s32 $0x0  }
0x177: {  	s30 =	sand.u32 $0x3C0, s18  }
0x178: {  	s0 =	sshrl.u32 s30, $0x2  }
0x179: {  	v16 =	vld [tilespmem:s0+$0x10ED0];
	_ =	sdelay $0x1  }
0x17a: {  	s31 =	sand.u32 $0xF, s18;
	v17, _, _ =	vpop (xrf0)  }
0x17b: {  	v18 =	vmov s31;
	v17 =	vbroadcast v17, $0xF  }
0x17c: {  	vm15 =	veq.s32 v18, v0  }
0x17d: {  	v16 =	vsel vm15, v17, v16  }
0x17e: {  	s20 =	simm.s32 $0x101E0;
	[tilespmem:s0+$0x10ED0] =	vst v16  }
0x17f: {  	s21 =	simm.s32 $0x2;
	s19 =	simm.s32 $0x1;
	v16 =	vld [tilespmem:s20+$0x0]  }
.LBB2_16:
0x180: {  	p0 =	seq.s32 s21, $0xC3;
	_ =	sdelay $0x3  }
0x181: {  	(xrf0) =	vmax.scan.msk.f32 $0xffff, v16  }
0x182: {  	s18 =	sadd.s32 $0x4, s18  }
0x183: {  	s0 =	sand.u32 $0x3C0, s18  }
0x184: {  	s0 =	sshrl.u32 s0, $0x2  }
0x185: {  	v16 =	vld [tilespmem:s0+$0x10ED0];
	_ =	sdelay $0x1  }
0x186: {  	s2 =	sand.u32 $0xF, s19;
	s19 =	smov.u32 s21;
	v17, _, _ =	vpop (xrf0)  }
.Ltmp9:
0x187: {  	v18 =	vmov s2;
	v17 =	vbroadcast v17, $0xF;
	(pc) =	sbr.rel @!p0 .LBB2_16-.Ltmp9, $4  }
0x188: {  	vm0 =	veq.s32 v18, v0  }
0x189: {  	v16 =	vsel vm0, v17, v16  }
0x18a: {  	s20 =	sadd.s32 $0x10, s20;
	[tilespmem:s0+$0x10ED0] =	vst v16  }
0x18b: {  	s21 =	sadd.s32 $0x1, s21;
	v16 =	vld [tilespmem:s20+$0x0]  }
0x18c: {  	_ =	sdelay $0x3  }
0x18d: {  	(xrf0) =	vmax.scan.msk.f32 $0xffff, v16  }
0x18e: {  	s0 =	sadd.s32 $0x4, s18  }
0x18f: {  	s0 =	sand.u32 $0x3C0, s0  }
0x190: {  	s0 =	sshrl.u32 s0, $0x2  }
0x191: {  	v16 =	vld [tilespmem:s0+$0x10ED0];
	_ =	sdelay $0x1  }
.Ltmp10:
0x192: {  	s2 =	sand.u32 $0xF, s19;
	v17, _, _ =	vpop (xrf0);
	(pc) =	sbr.rel .LBB2_18-.Ltmp10, $4  }
0x193: {  	v18 =	vmov s2;
	v17 =	vbroadcast v17, $0xF  }
0x194: {  	vm0 =	veq.s32 v18, v0  }
0x195: {  	v16 =	vsel vm0, v17, v16  }
0x196: {  	s18 =	simm.s32 $0x0;
	s19 =	simm.s32 $0x0;
	s20 =	simm.s32 $0x0;
	[tilespmem:s0+$0x10ED0] =	vst v16  }
.LBB2_21:
0x197: {  	v17 =	vsel @!p1 vm0, $0xFF800000, v17  }
0x198: {  	[tilespmem:s31+$0x10FA0] =	vst @!p1 v17  }
.LBB2_22:
0x199: {  	v17 =	vld [tilespmem:$0x110D0]  }
0x19a: {  	v18 =	vld [tilespmem:$0x110C0]  }
0x19b: {  	v19 =	vld [tilespmem:$0x110B0]  }
0x19c: {  	v20 =	vld [tilespmem:$0x110A0]  }
0x19d: {  	v21 =	vld [tilespmem:$0x11090]  }
0x19e: {  	v22 =	vld [tilespmem:$0x11080];
	vm0 =	veq.f32 v17, v16  }
0x19f: {  	v30 =	vld [tilespmem:$0x11070];
	vm4 =	veq.f32 v18, v16;
	v17 =	vsel vm0, $0x80000013, v15  }
0x1a0: {  	v31 =	vld [tilespmem:$0x11060];
	vm5 =	veq.f32 v19, v16;
	v17 =	vsel vm4, $0x80000012, v17  }
0x1a1: {  	v32 =	vld [tilespmem:$0x11050];
	vm6 =	veq.f32 v20, v16;
	v17 =	vsel vm5, $0x80000011, v17  }
0x1a2: {  	v33 =	vld [tilespmem:$0x11040];
	vm7 =	veq.f32 v21, v16;
	v17 =	vsel vm6, $0x80000010, v17  }
0x1a3: {  	v34 =	vld [tilespmem:$0x11030];
	vm8 =	veq.f32 v22, v16;
	v17 =	vsel vm7, $0x8000000F, v17  }
0x1a4: {  	v35 =	vld [tilespmem:$0x11020];
	vm9 =	veq.f32 v30, v16;
	v17 =	vsel vm8, $0x8000000E, v17  }
0x1a5: {  	v36 =	vld [tilespmem:$0x11010];
	vm10 =	veq.f32 v31, v16;
	v17 =	vsel vm9, $0x8000000D, v17  }
0x1a6: {  	v37 =	vld [tilespmem:$0x11000];
	vm11 =	veq.f32 v32, v16;
	v17 =	vsel vm10, $0x8000000C, v17  }
0x1a7: {  	v38 =	vld [tilespmem:$0x10FF0];
	vm12 =	veq.f32 v33, v16;
	v17 =	vsel vm11, $0x8000000B, v17  }
0x1a8: {  	v39 =	vld [tilespmem:$0x10FE0];
	vm13 =	veq.f32 v34, v16;
	v17 =	vsel vm12, $0x8000000A, v17  }
0x1a9: {  	v40 =	vld [tilespmem:$0x10FD0];
	vm14 =	veq.f32 v35, v16;
	v17 =	vsel vm13, $0x80000009, v17  }
0x1aa: {  	v41 =	vld [tilespmem:$0x10FC0];
	vm15 =	veq.f32 v36, v16;
	v17 =	vsel vm14, $0x80000008, v17  }
0x1ab: {  	v42 =	vld [tilespmem:$0x10FB0];
	vm4 =	veq.f32 v37, v16;
	v17 =	vsel vm15, $0x80000007, v17  }
0x1ac: {  	v43 =	vld [tilespmem:$0x10FA0];
	vm5 =	veq.f32 v38, v16;
	v17 =	vsel vm4, $0x80000006, v17  }
0x1ad: {  	vm6 =	veq.f32 v39, v16;
	v17 =	vsel vm5, $0x80000005, v17  }
0x1ae: {  	vm7 =	veq.f32 v40, v16;
	v17 =	vsel vm6, $0x80000004, v17  }
0x1af: {  	vm8 =	veq.f32 v41, v16;
	v17 =	vsel vm7, $0x80000003, v17  }
0x1b0: {  	s0 =	sxor.u32 $0x80000000, s26;
	vm9 =	veq.f32 v42, v16;
	v17 =	vsel vm8, $0x80000002, v17  }
0x1b1: {  	v44 =	vmov s0;
	vm10 =	veq.f32 v43, v16;
	v17 =	vsel vm9, $0x80000001, v17  }
0x1b2: {  	vm11 =	veq.s32 v44, v0;
	v17 =	vsel vm10, $0x80000000, v17  }
0x1b3: {  	v17 =	vnsel vm11, $0xFFFFFFFF, v17  }
0x1b4: {  	(xrf0) =	vmin.scan.msk.u32 $0xffff, v17;
	_ =	sdelay $0x5  }
0x1b5: {  	v17, _, _ =	vpop (xrf0)  }
0x1b6: {  	(v2sf) =	vpush v17, $0xF;
	_ =	sdelay $0xe  }
0x1b7: {  	s2 =	spop (v2sf)  }
0x1b8: {  	s2 =	sshll.u32 s2, $0x4  }
0x1b9: {  	s15 =	sadd.s32 s0, s2  }
0x1ba: {  	s16 =	sshra.s32 s15, $0x1F  }
0x1bb: {  	s16 =	sshrl.u32 s16, $0x1C  }
0x1bc: {  	s26 =	sand.u32 $0x30, s20;
	s16 =	sadd.s32 s16, s15  }
0x1bd: {  	v17 =	vld [tilespmem:s26+$0x110E0];
	s28 =	sand.u32 $0xFFFFFFF0, s16  }
0x1be: {  	v45 =	vld [tilespmem:s26+$0x11120];
	p0 =	slt.s32 s15, $0x1;
	p1 =	sne.s32 s15, s28  }
0x1bf: {  	s31 =	sand.u32 $0xF, s20;
	p0 =	por !p0, !p1  }
0x1c0: {  	v46 =	vmov s31;
	s28 =	simm.s32 $0x1;
	p0 =	por !p0, !p0  }
0x1c1: {  	vm12 =	veq.s32 v46, v0;
	s0 =	sadd.s32 s0, s25;
	s16 =	sshrl.u32 s16, $0x4;
	s28 =	simm.s32 @!p0 $0x0  }
0x1c2: {  	v16 =	vsel vm12, v16, v17;
	s0 =	sadd.s32 s2, s0;
	s29 =	ssub.s32 s16, s28  }
0x1c3: {  	[tilespmem:s26+$0x110E0] =	vst v16;
	v16 =	vsel vm12, s0, v45;
	s30 =	sshll.u32 s29, $0x6  }
0x1c4: {  	[tilespmem:s26+$0x11120] =	vst v16;
	s0 =	sshra.s32 s30, $0x2  }
0x1c5: {  	v16 =	vld [tilespmem:s0+$0x10FA0];
	_ =	sdelay $0x1  }
0x1c6: {  	s31 =	sand.u32 $0xF, s15  }
0x1c7: {  	v17 =	vmov s31  }
0x1c8: {  	vm13 =	veq.s32 v17, v0  }
0x1c9: {  	v16 =	vsel vm13, $0xFF800000, v16  }
0x1ca: {  	[tilespmem:s0+$0x10FA0] =	vst v16  }
0x1cb: {  	v16 =	vld [tilespmem:$0x10FA0]  }
0x1cc: {  	v17 =	vld [tilespmem:$0x10FB0]  }
0x1cd: {  	v47 =	vld [tilespmem:$0x10FC0]  }
0x1ce: {  	v48 =	vld [tilespmem:$0x10FD0]  }
0x1cf: {  	v49 =	vld [tilespmem:$0x10FE0]  }
0x1d0: {  	v50 =	vld [tilespmem:$0x10FF0]  }
0x1d1: {  	v16 =	vmax.f32 v16, v17;
	v17 =	vld [tilespmem:$0x11000]  }
0x1d2: {  	v51 =	vld [tilespmem:$0x11010];
	v16 =	vmax.f32 v16, v47  }
0x1d3: {  	v52 =	vld [tilespmem:$0x11020];
	v16 =	vmax.f32 v16, v48  }
0x1d4: {  	v53 =	vld [tilespmem:$0x11030];
	v16 =	vmax.f32 v16, v49  }
0x1d5: {  	v54 =	vld [tilespmem:$0x11040];
	v16 =	vmax.f32 v16, v50  }
0x1d6: {  	v16 =	vmax.f32 v16, v17;
	v17 =	vld [tilespmem:$0x11050]  }
0x1d7: {  	v55 =	vld [tilespmem:$0x11060];
	v16 =	vmax.f32 v16, v51  }
0x1d8: {  	v56 =	vld [tilespmem:$0x11070];
	v16 =	vmax.f32 v16, v52  }
0x1d9: {  	v57 =	vld [tilespmem:$0x11080];
	v16 =	vmax.f32 v16, v53  }
0x1da: {  	v58 =	vld [tilespmem:$0x11090];
	v16 =	vmax.f32 v16, v54  }
0x1db: {  	v16 =	vmax.f32 v16, v17;
	v17 =	vld [tilespmem:$0x110A0]  }
0x1dc: {  	v59 =	vld [tilespmem:$0x110B0];
	v16 =	vmax.f32 v16, v55  }
0x1dd: {  	s15 =	sshra.s32 s23, $0x1F;
	v60 =	vld [tilespmem:$0x110C0];
	v16 =	vmax.f32 v16, v56  }
0x1de: {  	s0 =	sshrl.u32 s15, $0x1C;
	v61 =	vld [tilespmem:$0x110D0];
	v16 =	vmax.f32 v16, v57  }
0x1df: {  	s0 =	sadd.s32 s0, s23;
	v16 =	vmax.f32 v16, v58  }
0x1e0: {  	s16 =	sand.u32 $0xFFFFFFF0, s0;
	v16 =	vmax.f32 v16, v17  }
0x1e1: {  	p2 =	slt.s32 s23, $0x1;
	p3 =	sne.s32 s23, s16;
	v16 =	vmax.f32 v16, v59  }
0x1e2: {  	p0 =	por !p2, !p3;
	v16 =	vmax.f32 v16, v60  }
0x1e3: {  	s2 =	simm.s32 $0x1;
	p0 =	por !p0, !p0;
	v16 =	vmax.f32 v16, v61  }
0x1e4: {  	s0 =	sshrl.u32 s0, $0x4;
	s2 =	simm.s32 @!p0 $0x0;
	(xrf0) =	vmax.scan.msk.f32 $0xffff, v16  }
0x1e5: {  	s0 =	ssub.s32 s0, s2  }
0x1e6: {  	s0 =	sshll.u32 s0, $0x6  }
0x1e7: {  	s0 =	sshra.s32 s0, $0x2;
	[tilespmem:s24+$0x3E80] =	vst v16  }
0x1e8: {  	v16 =	vld [tilespmem:s0+$0x101D0];
	_ =	sdelay $0x1  }
0x1e9: {  	s25 =	sand.u32 $0xF, s23;
	v17, _, _ =	vpop (xrf0)  }
0x1ea: {  	v62 =	vmov s25;
	v17 =	vbroadcast v17, $0xF  }
0x1eb: {  	vm14 =	veq.s32 v62, v0;
	s26 =	sxor.u32 $0x80000000, s21  }
0x1ec: {  	s28 =	sshra.s32 s26, $0x1F;
	v16 =	vsel vm14, v17, v16  }
0x1ed: {  	s29 =	sshrl.u32 s28, $0x1C;
	[tilespmem:s0+$0x101D0] =	vst v16  }
0x1ee: {  	s0 =	sadd.s32 s29, s26;
	v16 =	vld [tilespmem:s22+$0x101D0]  }
0x1ef: {  	p5 =	sgt.s32 s21, $0xFFFFFFFF;
	p4 =	slt.s32 s26, $0x1;
	s30 =	sand.u32 $0xFFFFFFF0, s0  }
0x1f0: {  	p0 =	por p5, p4;
	p6 =	sne.s32 s26, s30  }
0x1f1: {  	p0 =	por !p0, !p6  }
0x1f2: {  	s2 =	simm.s32 $0x1;
	p0 =	por !p0, !p0  }
0x1f3: {  	s0 =	sshrl.u32 s0, $0x4;
	s2 =	simm.s32 @!p0 $0x0;
	(xrf0) =	vmax.scan.msk.f32 $0xffff, v16  }
0x1f4: {  	s0 =	ssub.s32 s0, s2  }
0x1f5: {  	s0 =	sshll.u32 s0, $0x6  }
0x1f6: {  	s0 =	sshra.s32 s0, $0x2  }
0x1f7: {  	s20 =	sadd.s32 $0x1, s20;
	v16 =	vld [tilespmem:s0+$0x10ED0]  }
0x1f8: {  	p0 =	sne.s32 s20, $0x40  }
.Ltmp11:
0x1f9: {  	s31 =	sand.u32 $0xF, s21;
	v17, _, _ =	vpop (xrf0);
	(pc) =	sbr.rel @!p0 .LBB2_23-.Ltmp11, $4  }
0x1fa: {  	v63 =	vmov s31;
	v17 =	vbroadcast v17, $0xF  }
0x1fb: {  	vm15 =	veq.s32 v63, v0  }
0x1fc: {  	v16 =	vsel vm15, v17, v16  }
0x1fd: {  	s19 =	sadd.s32 $0x4, s19;
	[tilespmem:s0+$0x10ED0] =	vst v16  }
.LBB2_18:
0x1fe: {  	v16 =	vld [tilespmem:$0x10ED0]  }
0x1ff: {  	v17 =	vld [tilespmem:$0x10EE0]  }
0x200: {  	v18 =	vld [tilespmem:$0x10EF0]  }
0x201: {  	v19 =	vld [tilespmem:$0x10F00]  }
0x202: {  	v20 =	vld [tilespmem:$0x10F10]  }
0x203: {  	v21 =	vld [tilespmem:$0x10F20]  }
0x204: {  	v23 =	vld [tilespmem:$0x10F30];
	v22 =	vmax.f32 v16, v17  }
0x205: {  	v24 =	vld [tilespmem:$0x10F40];
	v22 =	vmax.f32 v22, v18  }
0x206: {  	v25 =	vld [tilespmem:$0x10F50];
	v22 =	vmax.f32 v22, v19  }
0x207: {  	v26 =	vld [tilespmem:$0x10F60];
	v22 =	vmax.f32 v22, v20  }
0x208: {  	v27 =	vld [tilespmem:$0x10F70];
	v22 =	vmax.f32 v22, v21  }
0x209: {  	v28 =	vld [tilespmem:$0x10F80];
	v22 =	vmax.f32 v22, v23  }
0x20a: {  	v29 =	vld [tilespmem:$0x10F90];
	v22 =	vmax.f32 v22, v24  }
0x20b: {  	v22 =	vmax.f32 v22, v25  }
0x20c: {  	v22 =	vmax.f32 v22, v26  }
0x20d: {  	v22 =	vmax.f32 v22, v27  }
0x20e: {  	v22 =	vmax.f32 v22, v28  }
0x20f: {  	v22 =	vmax.f32 v22, v29  }
0x210: {  	(xrf0) =	vmax.scan.msk.f32 $0xffff, v22;
	_ =	sdelay $0x5  }
0x211: {  	v22, _, _ =	vpop (xrf0)  }
0x212: {  	v22 =	vbroadcast v22, $0xF;
	_ =	sdelay $0x1  }
0x213: {  	vm0 =	veq.f32 v29, v22  }
0x214: {  	vm1 =	veq.f32 v28, v22;
	v56 =	vnsel vm0, $0xFFFFFFFF, v1  }
0x215: {  	vm15 =	veq.f32 v27, v22;
	v57 =	vsel vm1, v2, v56  }
0x216: {  	vm4 =	veq.f32 v26, v22;
	v58 =	vsel vm15, v3, v57  }
0x217: {  	vm5 =	veq.f32 v25, v22;
	v59 =	vsel vm4, v4, v58  }
0x218: {  	vm6 =	veq.f32 v24, v22;
	v60 =	vsel vm5, v5, v59  }
0x219: {  	vm7 =	veq.f32 v23, v22;
	v61 =	vsel vm6, v6, v60  }
0x21a: {  	vm8 =	veq.f32 v21, v22;
	v62 =	vsel vm7, v7, v61  }
0x21b: {  	vm9 =	veq.f32 v20, v22;
	v63 =	vsel vm8, v8, v62  }
0x21c: {  	vm10 =	veq.f32 v19, v22;
	v19 =	vsel vm9, v9, v63  }
0x21d: {  	vm11 =	veq.f32 v18, v22;
	v18 =	vsel vm10, v11, v19  }
0x21e: {  	vm12 =	veq.f32 v17, v22;
	v17 =	vsel vm11, v12, v18  }
0x21f: {  	vm13 =	veq.f32 v16, v22;
	v16 =	vsel vm12, v13, v17  }
0x220: {  	v16 =	vsel vm13, v14, v16  }
0x221: {  	(xrf0) =	vmin.scan.msk.u32 $0xffff, v16;
	_ =	sdelay $0x5  }
0x222: {  	v16, _, _ =	vpop (xrf0)  }
0x223: {  	(v2sf) =	vpush v16, $0xF;
	_ =	sdelay $0xe  }
0x224: {  	s21 =	spop (v2sf)  }
0x225: {  	s22 =	sshll.u32 s21, $0x4  }
0x226: {  	v16 =	vld [tilespmem:s22+$0x101D0];
	_ =	sdelay $0x4  }
0x227: {  	(xrf0) =	vmax.scan.msk.f32 $0xffff, v16;
	_ =	sdelay $0x5  }
0x228: {  	v17, _, _ =	vpop (xrf0)  }
0x229: {  	v17 =	vbroadcast v17, $0xF;
	_ =	sdelay $0x1  }
0x22a: {  	vm14 =	veq.f32 v16, v17  }
0x22b: {  	v16 =	vnsel vm14, $0xFFFFFFFF, v14  }
0x22c: {  	(xrf0) =	vmin.scan.msk.u32 $0xffff, v16;
	_ =	sdelay $0x5  }
0x22d: {  	v16, _, _ =	vpop (xrf0)  }
0x22e: {  	(v2sf) =	vpush v16, $0xF;
	_ =	sdelay $0xe  }
0x22f: {  	s0 =	spop (v2sf)  }
0x230: {  	s0 =	sadd.s32 s0, s22  }
0x231: {  	s23 =	sadd.s32 $0x80000000, s0  }
0x232: {  	s0 =	sshll.u32 s23, $0x6  }
0x233: {  	s24 =	sshra.s32 s0, $0x2  }
0x234: {  	v17 =	vld [tilespmem:s24+$0x3E80];
	_ =	sdelay $0x4  }
0x235: {  	(xrf0) =	vmax.scan.msk.f32 $0xffff, v17;
	_ =	sdelay $0x5  }
0x236: {  	v16, _, _ =	vpop (xrf0)  }
0x237: {  	v16 =	vbroadcast v16, $0xF;
	_ =	sdelay $0x1  }
0x238: {  	vm15 =	veq.f32 v17, v16  }
0x239: {  	v17 =	vnsel vm15, $0xFFFFFFFF, v14  }
0x23a: {  	(xrf0) =	vmin.scan.msk.u32 $0xffff, v17;
	_ =	sdelay $0x5  }
0x23b: {  	v17, _, _ =	vpop (xrf0)  }
0x23c: {  	(v2sf) =	vpush v17, $0xF;
	_ =	sdelay $0x7  }
0x23d: {  	s25 =	smul.u32 $0x140, s23;
	_ =	sdelay $0x1  }
0x23e: {  	s31 =	sadd.s32 s4, s25  }
0x23f: {  	s0 =	sshrl.u32 s31, $0x3  }
0x240: {  	p0 =	seq.s32 s20, $0x0;
	s0 =	sadd.s32 s1, s0  }
0x241: {  	[tilespmem:s13], [sflag:$0x3] =	stream.linear.gather [hbm4b:s0+s18], $0x140, $0x38;
	[tilespmem:$0x11160] =	vst v63  }
.Ltmp12:
0x242: {  	_ = 	snop;
	(pc) =	sbr.rel @p0 .LBB2_22-.Ltmp12, $4  }
0x243: {  	s26 =	spop (v2sf)  }
0x244: {  	_ =	swait.ge [sflag:s14], $0x140  }
0x245: {  	[sflag:s14] =	ssyncset.done $0x0  }
0x246: {  	[sflag:s14] =	ssyncadd.s32 $0xFFFFFEC0  }
0x247: {  	s0 =	sand.u32 $0xFFFFFFC0, s18  }
0x248: {  	s0 =	sshra.s32 s0, $0x2  }
0x249: {  	v17 =	vld [tilespmem:s0+$0x11120];
	_ =	sdelay $0x2  }
0x24a: {  	s30 =	sand.u32 $0xF, s18  }
0x24b: {  	v18 =	vmov s30  }
0x24c: {  	vm0 =	veq.s32 v18, v0;
	v17 =	vxor.u32 $0x80000000, v17  }
0x24d: {  	v17 =	vnsel vm0, $0xFFFFFFFF, v17  }
0x24e: {  	(xrf0) =	vmin.scan.msk.u32 $0xffff, v17;
	_ =	sdelay $0x5  }
0x24f: {  	v17, _, _ =	vpop (xrf0)  }
0x250: {  	(v2sf) =	vpush v17, $0xF;
	_ =	sdelay $0xe  }
0x251: {  	s0 =	spop (v2sf)  }
0x252: {  	s2 =	sxor.u32 $0x80000000, s0  }
0x253: {  	s28 =	smulhi.u32 $0x66666667, s2;
	s29 =	sshra.s32 s2, $0x1F  }
0x254: {  	s29 =	smul.u32 $0x66666667, s29;
	_ =	sdelay $0x1  }
0x255: {  	s28 =	sadd.s32 s29, s28  }
0x256: {  	s29 =	sshrl.u32 s28, $0x1F;
	s28 =	sshra.s32 s28, $0x7  }
0x257: {  	s28 =	sadd.s32 s29, s28  }
0x258: {  	s29 =	smul.u32 $0xFFFFFEC0, s28  }
0x259: {  	p1 =	sgt.s32 s0, $0xFFFFFFFF;
	p0 =	slt.s32 s2, $0x1;
	s30 =	ssub.s32 $0x0, s2  }
0x25a: {  	p0 =	por p1, p0;
	p6 =	sne.s32 s29, s30  }
0x25b: {  	p0 =	por !p0, !p6  }
0x25c: {  	s29 =	simm.s32 $0x1;
	p0 =	por !p0, !p0  }
0x25d: {  	s29 =	simm.s32 @!p0 $0x0  }
0x25e: {  	s28 =	ssub.s32 s28, s29  }
0x25f: {  	p1 =	sne.s32 s28, s23  }
0x260: {  	s28 =	ssub.s32 @!p1 s2, s25  }
0x261: {  	p0 =	sne.s32 @!p1 s2, s25;
	s29 =	sshra.s32 @!p1 s28, $0x1F  }
0x262: {  	s30 =	simm.s32 @!p1 $0x1;
	p0 =	por !p0, p1;
	s2 =	sshrl.u32 @!p1 s29, $0x1C  }
0x263: {  	s30 =	simm.s32 @p0 $0x0;
	s2 =	sadd.s32 @!p1 s2, s28  }
0x264: {  	s29 =	sor.u32 @!p1 s30, s29;
	s30 =	sand.u32 @!p1 $0xFFFFFFF0, s2  }
0x265: {  	p0 =	sne.s32 @!p1 s29, $0x1;
	p2 =	sne.s32 @!p1 s28, s30  }
0x266: {  	p0 =	por @!p1 !p2, !p0  }
0x267: {  	p0 =	por @!p1 !p0, !p0  }
0x268: {  	s28 =	simm.s32 @!p1 $0x1;
	p0 =	por !p0, p1  }
0x269: {  	s2 =	sshrl.u32 @!p1 s2, $0x4;
	s28 =	simm.s32 @p0 $0x0  }
0x26a: {  	s2 =	ssub.s32 @!p1 s2, s28  }
0x26b: {  	s28 =	sadd.s32 $0x4, s18;
	s2 =	sshll.u32 @!p1 s2, $0x6  }
0x26c: {  	p0 =	sne.s32 s19, s28;
	s31 =	sshra.s32 @!p1 s2, $0x2  }
.Ltmp13:
0x26d: {  	v17 =	vld @!p1 [tilespmem:s31+$0x10FA0];
	(pc) =	sbr.rel @!p0 .LBB2_21-.Ltmp13, $4  }
0x26e: {  	_ = 	snop  }
0x26f: {  	s0 =	sand.u32 @!p1 $0xF, s0  }
0x270: {  	v19 =	vlaneseq.u32 @!p1;
	v18 =	vmov @!p1 s0  }
0x271: {  	vm0 =	veq.s32 @!p1 v18, v19;
	s29 =	simm.s32 $0x0  }
.LBB2_20:
0x272: {  	s0 =	sand.u32 $0xFFFFFFC0, s28;
	s28 =	sadd.s32 $0x4, s28;
	v17 =	vsel @!p1 vm0, $0xFF800000, v17  }
0x273: {  	s0 =	sshra.s32 s0, $0x2;
	p0 =	sne.s32 s19, s28;
	[tilespmem:s31+$0x10FA0] =	vst @!p1 v17  }
0x274: {  	v17 =	vld [tilespmem:s0+$0x11120];
	_ =	sdelay $0x1  }
0x275: {  	s29 =	sadd.s32 $0x1, s29  }
0x276: {  	s0 =	sand.u32 $0xF, s29  }
0x277: {  	v18 =	vmov s0  }
0x278: {  	vm0 =	veq.s32 v18, v0;
	v17 =	vxor.u32 $0x80000000, v17  }
0x279: {  	v17 =	vnsel vm0, $0xFFFFFFFF, v17  }
0x27a: {  	(xrf0) =	vmin.scan.msk.u32 $0xffff, v17;
	_ =	sdelay $0x5  }
0x27b: {  	v17, _, _ =	vpop (xrf0)  }
0x27c: {  	(v2sf) =	vpush v17, $0xF;
	_ =	sdelay $0xe  }
0x27d: {  	s30 =	spop (v2sf)  }
0x27e: {  	s0 =	sxor.u32 $0x80000000, s30  }
0x27f: {  	s2 =	smulhi.u32 $0x66666667, s0;
	s31 =	sshra.s32 s0, $0x1F  }
0x280: {  	s31 =	smul.u32 $0x66666667, s31;
	_ =	sdelay $0x1  }
0x281: {  	s2 =	sadd.s32 s31, s2  }
0x282: {  	s31 =	sshrl.u32 s2, $0x1F;
	s2 =	sshra.s32 s2, $0x7  }
0x283: {  	s2 =	sadd.s32 s31, s2  }
0x284: {  	s31 =	smul.u32 $0xFFFFFEC0, s2  }
0x285: {  	p2 =	sgt.s32 s30, $0xFFFFFFFF;
	p1 =	slt.s32 s0, $0x1;
	s15 =	ssub.s32 $0x0, s0  }
0x286: {  	p1 =	por p2, p1;
	p2 =	sne.s32 s31, s15  }
0x287: {  	p1 =	por !p1, !p2  }
0x288: {  	s15 =	simm.s32 $0x1;
	p1 =	por !p1, !p1  }
0x289: {  	s15 =	simm.s32 @!p1 $0x0  }
0x28a: {  	s2 =	ssub.s32 s2, s15  }
0x28b: {  	p1 =	sne.s32 s2, s23  }
0x28c: {  	s2 =	ssub.s32 @!p1 s0, s25  }
0x28d: {  	p2 =	sne.s32 @!p1 s0, s25;
	s31 =	simm.s32 @!p1 $0x1;
	s15 =	sshra.s32 @!p1 s2, $0x1F  }
0x28e: {  	s16 =	simm.s32 @!p1 $0x1;
	p2 =	por !p2, p1;
	s0 =	sshrl.u32 @!p1 s15, $0x1C  }
0x28f: {  	s16 =	simm.s32 @p2 $0x0;
	s0 =	sadd.s32 @!p1 s0, s2  }
0x290: {  	s15 =	sor.u32 @!p1 s16, s15;
	s16 =	sand.u32 @!p1 $0xFFFFFFF0, s0  }
0x291: {  	p2 =	sne.s32 @!p1 s15, $0x1;
	p3 =	sne.s32 @!p1 s2, s16  }
0x292: {  	p2 =	por @!p1 !p3, !p2  }
0x293: {  	p2 =	por @!p1 !p2, !p2  }
0x294: {  	p2 =	por !p2, p1  }
0x295: {  	s0 =	sshrl.u32 @!p1 s0, $0x4;
	s31 =	simm.s32 @p2 $0x0  }
0x296: {  	s0 =	ssub.s32 @!p1 s0, s31  }
0x297: {  	s0 =	sshll.u32 @!p1 s0, $0x6  }
0x298: {  	s31 =	sshra.s32 @!p1 s0, $0x2  }
.Ltmp14:
0x299: {  	v17 =	vld @!p1 [tilespmem:s31+$0x10FA0];
	(pc) =	sbr.rel @p0 .LBB2_20-.Ltmp14, $4  }
0x29a: {  	_ = 	snop  }
0x29b: {  	s0 =	sand.u32 @!p1 $0xF, s30  }
0x29c: {  	v19 =	vlaneseq.u32 @!p1;
	v18 =	vmov @!p1 s0  }
0x29d: {  	vm0 =	veq.s32 @!p1 v18, v19  }
.Ltmp15:
0x29e: {  	_ = 	snop;
	(pc) =	sbr.rel .LBB2_21-.Ltmp15, $1  }
0x29f: {  	_ =	sdelay $0x3  }
.LBB2_10:
.Ltmp16:
0x2a0: {  	(pc) =	sbr.rel .LBB2_15-.Ltmp16, $2  }
0x2a1: {  	_ =	sdelay $0x2  }
0x2a2: {  	s22 =	simm.s32 $0x10040;
	s23 =	simm.s32 $0x3070  }
.LBB2_12:
.Ltmp17:
0x2a3: {  	(pc) =	sbr.rel .LBB2_15-.Ltmp17, $2  }
0x2a4: {  	_ =	sdelay $0x2  }
0x2a5: {  	s22 =	simm.s32 $0x10040;
	s23 =	simm.s32 $0x3070;
	s24 =	simm.s32 $0xC1D  }
.LBB2_24:
0x2a6: {  	_ =	sfence.sel $0x180000  }
0x2a7: {  	[bflag:$0x0] =	sbarrier.arrive $0xFFFF  }
0x2a8: {  	_ =	strace $0x90000047  }
0x2a9: {  	s0 =	stileid.u32;
	[bflag:$0x2] =	sbarrier.arrive $0xFFFF  }
0x2aa: {  	p0 =	sne.s32 s0, $0x0;
	s0 =	rddreg [dreg:$0x3]  }
0x2ab: {  	s0 =	sadd.s32 @!p0 $0x100000, s0  }
0x2ac: {  	[sflag:s0] =	ssyncadd.tile.s32 @!p0 $0x1;
	_ =	shalt  }
.Lfunc_end2:
_tile_overlayer_lowered:
.L_overlay_start_2:
0x2ad: {  	(tag) =	ssettag $0x2  }
0x2ae: {  	s0 =	rddreg [dreg:$0x0];
	s2 =	stileid.u32  }
0x2af: {  	s1 =	rddreg [dreg:$0x1];
	p0 =	sne.s32 s2, $0x0  }
0x2b0: {  	s3 =	rddreg [dreg:$0x2];
	[bflag:$0x3] =	sbarrier.arrive $0xFFFF;
	s2 =	simm.s32 @!p0 $0x1C03  }
0x2b1: {  	[timem:s3], [sflag:s2] =	dma.local @!p0 [hbm:s0], s1  }
0x2b2: {  	s0 =	simm.s32 @!p0 $0x3  }
0x2b3: {  	_ =	swait.ge @!p0 [sflag:s0], s1  }
0x2b4: {  	s1 =	ssub.s32 @!p0 $0x0, s1;
	[sflag:s0] =	ssyncset.done @!p0 $0x0  }
0x2b5: {  	[sflag:s0] =	ssyncadd.s32 @!p0 s1  }
0x2b6: {  	[bflag:$0x3] =	sbarrier.arrive $0xFFFF  }
0x2b7: {  	_ =	shalt  }

</sc_bundles>
